<compile_context>
chip_gen: v7x
topology: tpu7x:2x2x1
jax: 0.10.2.dev20260603
libtpu: 0.0.44.dev20260713+nightly
codegen_flags: <defaults>
</compile_context>

<pallas_src>
import functools

import jax
import jax.numpy as jnp
from jax import lax
from jax.experimental import pallas as pl
from jax.experimental.pallas import tpu as pltpu
from jax.experimental.pallas import tpu_sc as plsc

B = 16384
D = 64
NC = 2
NS = 16
NW = NC * NS
BPW = B // NW
L = 16
SCALE = 0.25


@functools.partial(
    pl.kernel,
    out_type=(
        jax.ShapeDtypeStruct((B, D), jnp.float32),
        jax.ShapeDtypeStruct((B, D), jnp.float32),
    ),
    mesh=plsc.VectorSubcoreMesh(core_axis_name="c", subcore_axis_name="s"),
    scratch_types=[
        pltpu.VMEM((BPW,), jnp.int32),
        pltpu.VMEM((BPW,), jnp.int32),
        pltpu.VMEM((BPW, D), jnp.float32),
        pltpu.VMEM((BPW, D), jnp.float32),
        pltpu.SemaphoreType.DMA,
        pltpu.SemaphoreType.DMA,
        pltpu.SemaphoreType.DMA,
    ],
    compiler_params=pltpu.CompilerParams(use_tc_tiling_on_sc=False),
)
def _gather_scale(users_hbm, items_hbm, utab_hbm, itab_hbm,
                  out_u_hbm, out_i_hbm,
                  idx_u, idx_i, rows_u, rows_i, sem_u, sem_i, sem_w):
    wid = lax.axis_index("s") * NC + lax.axis_index("c")
    base = wid * BPW

    pltpu.sync_copy(users_hbm.at[pl.ds(base, BPW)], idx_u)
    pltpu.sync_copy(items_hbm.at[pl.ds(base, BPW)], idx_i)
    cp_u = pltpu.async_copy(utab_hbm.at[idx_u], rows_u, sem_u)
    cp_i = pltpu.async_copy(itab_hbm.at[idx_i], rows_i, sem_i)

    def scale_in(rows_v):
        def scale_row(i, _):
            for j in range(D // L):
                sl = pl.ds(j * L, L)
                rows_v[i, sl] = rows_v[i, sl] * SCALE
            return 0

        lax.fori_loop(0, BPW, scale_row, 0, unroll=8)

    cp_u.wait()
    scale_in(rows_u)
    w_u = pltpu.async_copy(rows_u, out_u_hbm.at[pl.ds(base, BPW)], sem_w)
    cp_i.wait()
    scale_in(rows_i)
    w_i = pltpu.async_copy(rows_i, out_i_hbm.at[pl.ds(base, BPW)], sem_w)
    w_u.wait()
    w_i.wait()


def kernel(users, items, user_table, item_table, edge_user, edge_item):
    del edge_user, edge_item
    return _gather_scale(users, items, user_table, item_table)

# --- scband reference (transcript-rebuilt; emitter-appended) ---
"""Pipeline reference for scband-light-gcn-18382460027569 (READ-ONLY COPY).

The authoritative reference and input builder live on the scoring server;
editing this copy changes nothing except your own understanding.
"""

import jax, jax.numpy as jnp
import numpy as np

N_USERS = 100000
N_ITEMS = 100000
EMB = 64
N_LAYERS = 3
N_EDGES = 1600000
BATCH = 16384


def setup_inputs(seed: int = 0) -> dict:
    key = jax.random.key(seed)
    ku, ki, kqu, kqi = jax.random.split(key, 4)
    user_table = jax.random.normal(ku, (N_USERS, EMB), dtype=jnp.float32) * 0.1
    item_table = jax.random.normal(ki, (N_ITEMS, EMB), dtype=jnp.float32) * 0.1
    rs = np.random.RandomState(0)
    edge_user = jnp.asarray(rs.randint(0, N_USERS, size=N_EDGES), dtype=jnp.int32)
    edge_item = jnp.asarray(rs.randint(0, N_ITEMS, size=N_EDGES), dtype=jnp.int32)
    users = jax.random.randint(kqu, (BATCH,), 0, N_USERS, dtype=jnp.int32)
    items = jax.random.randint(kqi, (BATCH,), 0, N_ITEMS, dtype=jnp.int32)
    return {
        'users': users,
        'items': items,
        'user_table': user_table,
        'item_table': item_table,
        'edge_user': edge_user,
        'edge_item': edge_item,
    }


def reference(users, items, user_table, item_table, edge_user, edge_item):
    n_users = user_table.shape[0]
    n_items = item_table.shape[0]
    n_total = n_users + n_items
    # build_adj_matrix: rows = user ids, cols = item ids + n_users, binary values
    row = edge_user
    col = edge_item + n_users
    vals = jnp.ones(row.shape[0], dtype=jnp.float32)
    # symmetric-normalization as written in the torch module (row-sums only; item
    # rows have zero degree -> d_inv_sqrt = 0 there, exactly matching torch)
    row_sum = jax.ops.segment_sum(vals, row, num_segments=n_total)
    d_inv_sqrt = jnp.power(row_sum, -0.5)
    d_inv_sqrt = jnp.where(jnp.isinf(d_inv_sqrt), 0.0, d_inv_sqrt)
    norm_vals = d_inv_sqrt[row] * vals * d_inv_sqrt[col]
    # propagate
    all_emb = jnp.concatenate([user_table, item_table], axis=0)
    layer_embs = [all_emb]
    x = all_emb
    for _ in range(N_LAYERS):
        gathered = norm_vals[:, None] * x[col]           # gather (SparseCore)
        x = jax.ops.segment_sum(gathered, row, num_segments=n_total)  # scatter-add
        layer_embs.append(x)
    final = jnp.stack(layer_embs, axis=1).mean(axis=1)
    final_user = final[:n_users]
    final_item = final[n_users:]
    return (final_user[users], final_item[items])

if __name__ == "__main__":
    import jax
    _d = setup_inputs()
    print(jax.jit(kernel)(*tuple(_d.values())))

</pallas_src>

<mosaic_0001>
#map = affine_map<(d0, d1) -> (0)>
#map1 = affine_map<(d0, d1) -> (0, 0)>
module attributes {stable_mosaic.version = 14 : i64} {
  func.func @_gather_scale(%arg0: i32, %arg1: i32, %arg2: memref<16384xi32, #tpu.memory_space<hbm>>, %arg3: memref<16384xi32, #tpu.memory_space<hbm>>, %arg4: memref<100000x64xf32, #tpu.memory_space<hbm>>, %arg5: memref<100000x64xf32, #tpu.memory_space<hbm>>, %arg6: memref<16384x64xf32, #tpu.memory_space<hbm>>, %arg7: memref<16384x64xf32, #tpu.memory_space<hbm>>, %arg8: memref<512xi32, #tpu.memory_space<vmem>>, %arg9: memref<512xi32, #tpu.memory_space<vmem>>, %arg10: memref<512x64xf32, #tpu.memory_space<vmem>>, %arg11: memref<512x64xf32, #tpu.memory_space<vmem>>, %arg12: memref<!tpu.dma_semaphore, #tpu.memory_space<semaphore_mem>>, %arg13: memref<!tpu.dma_semaphore, #tpu.memory_space<semaphore_mem>>, %arg14: memref<!tpu.dma_semaphore, #tpu.memory_space<semaphore_mem>>) attributes {dimension_semantics = [#tpu.dimension_semantics<core_parallel>, #tpu.dimension_semantics<subcore_parallel>], iteration_bounds = array<i64: 2, 16>, scalar_prefetch = 0 : i64, scratch_operands = 7 : i64, tpu.core_type = #tpu.core_type<sc_vector_subcore>, window_params = [{transform_indices = #map}, {transform_indices = #map}, {transform_indices = #map1}, {transform_indices = #map1}, {transform_indices = #map1}, {transform_indices = #map1}]} {
    %mul3A = arith.constant 2 : i32
    %mul3A_0 = arith.muli %arg1, %mul3A : i32
    %add3A = arith.addi %mul3A_0, %arg0 : i32
    %mul3A_1 = arith.constant 512 : i32
    %mul3A_2 = arith.muli %add3A, %mul3A_1 : i32
    "tpu.region"() ({
      %run_scoped3A = tpu.sem_alloc : memref<!tpu.dma_semaphore, #tpu.memory_space<semaphore_mem>>
      %dma_start3A_42 = tpu.memref_slice %arg2[%mul3A_2] : memref<16384xi32, #tpu.memory_space<hbm>> -> memref<512xi32, #tpu.memory_space<hbm>>
      %dma_start3A_43 = tpu.memref_slice %arg2[%mul3A_2] : memref<16384xi32, #tpu.memory_space<hbm>> -> memref<512xi32, #tpu.memory_space<hbm>>
      tpu.enqueue_dma source(%dma_start3A_43 : memref<512xi32, #tpu.memory_space<hbm>>) target(%arg8 : memref<512xi32, #tpu.memory_space<vmem>>) target_semaphore(%run_scoped3A : memref<!tpu.dma_semaphore, #tpu.memory_space<semaphore_mem>>)
      %dma_wait3A_44 = tpu.memref_slice %arg2[%mul3A_2] : memref<16384xi32, #tpu.memory_space<hbm>> -> memref<512xi32, #tpu.memory_space<hbm>>
      %dma_wait3A_45 = tpu.memref_slice %arg2[%mul3A_2] : memref<16384xi32, #tpu.memory_space<hbm>> -> memref<512xi32, #tpu.memory_space<hbm>>
      tpu.wait_dma2 semaphore(%run_scoped3A : memref<!tpu.dma_semaphore, #tpu.memory_space<semaphore_mem>>) src(%dma_wait3A_45 : memref<512xi32, #tpu.memory_space<hbm>>) dst(%arg8 : memref<512xi32, #tpu.memory_space<vmem>>)
      tpu.yield
    }) : () -> ()
    "tpu.region"() ({
      %run_scoped3A = tpu.sem_alloc : memref<!tpu.dma_semaphore, #tpu.memory_space<semaphore_mem>>
      %dma_start3A_42 = tpu.memref_slice %arg3[%mul3A_2] : memref<16384xi32, #tpu.memory_space<hbm>> -> memref<512xi32, #tpu.memory_space<hbm>>
      %dma_start3A_43 = tpu.memref_slice %arg3[%mul3A_2] : memref<16384xi32, #tpu.memory_space<hbm>> -> memref<512xi32, #tpu.memory_space<hbm>>
      tpu.enqueue_dma source(%dma_start3A_43 : memref<512xi32, #tpu.memory_space<hbm>>) target(%arg9 : memref<512xi32, #tpu.memory_space<vmem>>) target_semaphore(%run_scoped3A : memref<!tpu.dma_semaphore, #tpu.memory_space<semaphore_mem>>)
      %dma_wait3A_44 = tpu.memref_slice %arg3[%mul3A_2] : memref<16384xi32, #tpu.memory_space<hbm>> -> memref<512xi32, #tpu.memory_space<hbm>>
      %dma_wait3A_45 = tpu.memref_slice %arg3[%mul3A_2] : memref<16384xi32, #tpu.memory_space<hbm>> -> memref<512xi32, #tpu.memory_space<hbm>>
      tpu.wait_dma2 semaphore(%run_scoped3A : memref<!tpu.dma_semaphore, #tpu.memory_space<semaphore_mem>>) src(%dma_wait3A_45 : memref<512xi32, #tpu.memory_space<hbm>>) dst(%arg9 : memref<512xi32, #tpu.memory_space<vmem>>)
      tpu.yield
    }) : () -> ()
    %dma_start3A = arith.constant 0 : i32
    %dma_start3A_3 = arith.constant 0 : i32
    %dma_start3A_4 = tpu.memref_slice %arg4[%dma_start3A, %dma_start3A_3] : memref<100000x64xf32, #tpu.memory_space<hbm>> -> memref<100000x64xf32, #tpu.memory_space<hbm>>
    tpu.enqueue_indirect_dma source(%dma_start3A_4 : memref<100000x64xf32, #tpu.memory_space<hbm>>) target(%arg10 : memref<512x64xf32, #tpu.memory_space<vmem>>) offsets(%arg8 : memref<512xi32, #tpu.memory_space<vmem>>) semaphore(%arg12 : memref<!tpu.dma_semaphore, #tpu.memory_space<semaphore_mem>>)
    %dma_start3A_5 = arith.constant 0 : i32
    %dma_start3A_6 = arith.constant 0 : i32
    %dma_start3A_7 = tpu.memref_slice %arg5[%dma_start3A_5, %dma_start3A_6] : memref<100000x64xf32, #tpu.memory_space<hbm>> -> memref<100000x64xf32, #tpu.memory_space<hbm>>
    tpu.enqueue_indirect_dma source(%dma_start3A_7 : memref<100000x64xf32, #tpu.memory_space<hbm>>) target(%arg11 : memref<512x64xf32, #tpu.memory_space<vmem>>) offsets(%arg9 : memref<512xi32, #tpu.memory_space<vmem>>) semaphore(%arg13 : memref<!tpu.dma_semaphore, #tpu.memory_space<semaphore_mem>>)
    %dma_wait3A = arith.constant 0 : i32
    %dma_wait3A_8 = arith.constant 0 : i32
    %dma_wait3A_9 = tpu.memref_slice %arg4[%dma_wait3A, %dma_wait3A_8] : memref<100000x64xf32, #tpu.memory_space<hbm>> -> memref<100000x64xf32, #tpu.memory_space<hbm>>
    tpu.wait_indirect_dma semaphore(%arg12 : memref<!tpu.dma_semaphore, #tpu.memory_space<semaphore_mem>>) src(%dma_wait3A_9 : memref<100000x64xf32, #tpu.memory_space<hbm>>) dst(%arg10 : memref<512x64xf32, #tpu.memory_space<vmem>>)
    %scan3A = arith.constant 0 : i32
    %scan3A_10 = arith.constant 0 : i32
    %scan3A_11 = arith.constant 512 : i32
    %scan3A_12 = arith.addi %scan3A_10, %scan3A_11 : i32
    %scan3A_13 = arith.constant 8 : i32
    %scan3A_14 = scf.for %scan3A_42 = %scan3A_10 to %scan3A_12 step %scan3A_13 iter_args(%scan3A_43 = %scan3A) -> (i32)  : i32 {
      %get3A = arith.index_cast %scan3A_42 : i32 to index
      %get3A_44 = arith.constant 0 : index
      %get3A_45 = tpu.vector_load %arg10[%get3A, %get3A_44] {strides = array<i32>} : memref<512x64xf32, #tpu.memory_space<vmem>>, vector<1x16xf32>,
      %get3A_46 = vector.shape_cast %get3A_45 : vector<1x16xf32> to vector<16xf32>
      %mul3A_47 = arith.constant 2.500000e-01 : f32
      %mul3A_48 = vector.broadcast %mul3A_47 : f32 to vector<16xf32>
      %mul3A_49 = arith.mulf %get3A_46, %mul3A_48 : vector<16xf32>
      %swap3A = arith.index_cast %scan3A_42 : i32 to index
      %swap3A_50 = arith.constant 0 : index
      %swap3A_51 = tpu.vector_load %arg10[%swap3A, %swap3A_50] {strides = array<i32>} : memref<512x64xf32, #tpu.memory_space<vmem>>, vector<1x16xf32>,
      %swap3A_52 = vector.shape_cast %swap3A_51 : vector<1x16xf32> to vector<16xf32>
      %swap3A_53 = vector.shape_cast %mul3A_49 : vector<16xf32> to vector<1x16xf32>
      tpu.vector_store %arg10[%swap3A, %swap3A_50], %swap3A_53 {strides = array<i32>} : memref<512x64xf32, #tpu.memory_space<vmem>>, vector<1x16xf32>,
      %get3A_54 = arith.index_cast %scan3A_42 : i32 to index
      %get3A_55 = arith.constant 16 : index
      %get3A_56 = tpu.vector_load %arg10[%get3A_54, %get3A_55] {strides = array<i32>} : memref<512x64xf32, #tpu.memory_space<vmem>>, vector<1x16xf32>,
      %get3A_57 = vector.shape_cast %get3A_56 : vector<1x16xf32> to vector<16xf32>
      %mul3A_58 = arith.constant 2.500000e-01 : f32
      %mul3A_59 = vector.broadcast %mul3A_58 : f32 to vector<16xf32>
      %mul3A_60 = arith.mulf %get3A_57, %mul3A_59 : vector<16xf32>
      %swap3A_61 = arith.index_cast %scan3A_42 : i32 to index
      %swap3A_62 = arith.constant 16 : index
      %swap3A_63 = tpu.vector_load %arg10[%swap3A_61, %swap3A_62] {strides = array<i32>} : memref<512x64xf32, #tpu.memory_space<vmem>>, vector<1x16xf32>,
      %swap3A_64 = vector.shape_cast %swap3A_63 : vector<1x16xf32> to vector<16xf32>
      %swap3A_65 = vector.shape_cast %mul3A_60 : vector<16xf32> to vector<1x16xf32>
      tpu.vector_store %arg10[%swap3A_61, %swap3A_62], %swap3A_65 {strides = array<i32>} : memref<512x64xf32, #tpu.memory_space<vmem>>, vector<1x16xf32>,
      %get3A_66 = arith.index_cast %scan3A_42 : i32 to index
      %get3A_67 = arith.constant 32 : index
      %get3A_68 = tpu.vector_load %arg10[%get3A_66, %get3A_67] {strides = array<i32>} : memref<512x64xf32, #tpu.memory_space<vmem>>, vector<1x16xf32>,
      %get3A_69 = vector.shape_cast %get3A_68 : vector<1x16xf32> to vector<16xf32>
      %mul3A_70 = arith.constant 2.500000e-01 : f32
      %mul3A_71 = vector.broadcast %mul3A_70 : f32 to vector<16xf32>
      %mul3A_72 = arith.mulf %get3A_69, %mul3A_71 : vector<16xf32>
      %swap3A_73 = arith.index_cast %scan3A_42 : i32 to index
      %swap3A_74 = arith.constant 32 : index
      %swap3A_75 = tpu.vector_load %arg10[%swap3A_73, %swap3A_74] {strides = array<i32>} : memref<512x64xf32, #tpu.memory_space<vmem>>, vector<1x16xf32>,
      %swap3A_76 = vector.shape_cast %swap3A_75 : vector<1x16xf32> to vector<16xf32>
      %swap3A_77 = vector.shape_cast %mul3A_72 : vector<16xf32> to vector<1x16xf32>
      tpu.vector_store %arg10[%swap3A_73, %swap3A_74], %swap3A_77 {strides = array<i32>} : memref<512x64xf32, #tpu.memory_space<vmem>>, vector<1x16xf32>,
      %get3A_78 = arith.index_cast %scan3A_42 : i32 to index
      %get3A_79 = arith.constant 48 : index
      %get3A_80 = tpu.vector_load %arg10[%get3A_78, %get3A_79] {strides = array<i32>} : memref<512x64xf32, #tpu.memory_space<vmem>>, vector<1x16xf32>,
      %get3A_81 = vector.shape_cast %get3A_80 : vector<1x16xf32> to vector<16xf32>
      %mul3A_82 = arith.constant 2.500000e-01 : f32
      %mul3A_83 = vector.broadcast %mul3A_82 : f32 to vector<16xf32>
      %mul3A_84 = arith.mulf %get3A_81, %mul3A_83 : vector<16xf32>
      %swap3A_85 = arith.index_cast %scan3A_42 : i32 to index
      %swap3A_86 = arith.constant 48 : index
      %swap3A_87 = tpu.vector_load %arg10[%swap3A_85, %swap3A_86] {strides = array<i32>} : memref<512x64xf32, #tpu.memory_space<vmem>>, vector<1x16xf32>,
      %swap3A_88 = vector.shape_cast %swap3A_87 : vector<1x16xf32> to vector<16xf32>
      %swap3A_89 = vector.shape_cast %mul3A_84 : vector<16xf32> to vector<1x16xf32>
      tpu.vector_store %arg10[%swap3A_85, %swap3A_86], %swap3A_89 {strides = array<i32>} : memref<512x64xf32, #tpu.memory_space<vmem>>, vector<1x16xf32>,
      %scan3A_90 = arith.constant 0 : i32
      %scan3A_91 = arith.constant 1 : i32
      %scan3A_92 = arith.addi %scan3A_42, %scan3A_91 : i32
      %get3A_93 = arith.index_cast %scan3A_92 : i32 to index
      %get3A_94 = arith.constant 0 : index
      %get3A_95 = tpu.vector_load %arg10[%get3A_93, %get3A_94] {strides = array<i32>} : memref<512x64xf32, #tpu.memory_space<vmem>>, vector<1x16xf32>,
      %get3A_96 = vector.shape_cast %get3A_95 : vector<1x16xf32> to vector<16xf32>
      %mul3A_97 = arith.constant 2.500000e-01 : f32
      %mul3A_98 = vector.broadcast %mul3A_97 : f32 to vector<16xf32>
      %mul3A_99 = arith.mulf %get3A_96, %mul3A_98 : vector<16xf32>
      %swap3A_100 = arith.index_cast %scan3A_92 : i32 to index
      %swap3A_101 = arith.constant 0 : index
      %swap3A_102 = tpu.vector_load %arg10[%swap3A_100, %swap3A_101] {strides = array<i32>} : memref<512x64xf32, #tpu.memory_space<vmem>>, vector<1x16xf32>,
      %swap3A_103 = vector.shape_cast %swap3A_102 : vector<1x16xf32> to vector<16xf32>
      %swap3A_104 = vector.shape_cast %mul3A_99 : vector<16xf32> to vector<1x16xf32>
      tpu.vector_store %arg10[%swap3A_100, %swap3A_101], %swap3A_104 {strides = array<i32>} : memref<512x64xf32, #tpu.memory_space<vmem>>, vector<1x16xf32>,
      %get3A_105 = arith.index_cast %scan3A_92 : i32 to index
      %get3A_106 = arith.constant 16 : index
      %get3A_107 = tpu.vector_load %arg10[%get3A_105, %get3A_106] {strides = array<i32>} : memref<512x64xf32, #tpu.memory_space<vmem>>, vector<1x16xf32>,
      %get3A_108 = vector.shape_cast %get3A_107 : vector<1x16xf32> to vector<16xf32>
      %mul3A_109 = arith.constant 2.500000e-01 : f32
      %mul3A_110 = vector.broadcast %mul3A_109 : f32 to vector<16xf32>
      %mul3A_111 = arith.mulf %get3A_108, %mul3A_110 : vector<16xf32>
      %swap3A_112 = arith.index_cast %scan3A_92 : i32 to index
      %swap3A_113 = arith.constant 16 : index
      %swap3A_114 = tpu.vector_load %arg10[%swap3A_112, %swap3A_113] {strides = array<i32>} : memref<512x64xf32, #tpu.memory_space<vmem>>, vector<1x16xf32>,
      %swap3A_115 = vector.shape_cast %swap3A_114 : vector<1x16xf32> to vector<16xf32>
      %swap3A_116 = vector.shape_cast %mul3A_111 : vector<16xf32> to vector<1x16xf32>
      tpu.vector_store %arg10[%swap3A_112, %swap3A_113], %swap3A_116 {strides = array<i32>} : memref<512x64xf32, #tpu.memory_space<vmem>>, vector<1x16xf32>,
      %get3A_117 = arith.index_cast %scan3A_92 : i32 to index
      %get3A_118 = arith.constant 32 : index
      %get3A_119 = tpu.vector_load %arg10[%get3A_117, %get3A_118] {strides = array<i32>} : memref<512x64xf32, #tpu.memory_space<vmem>>, vector<1x16xf32>,
      %get3A_120 = vector.shape_cast %get3A_119 : vector<1x16xf32> to vector<16xf32>
      %mul3A_121 = arith.constant 2.500000e-01 : f32
      %mul3A_122 = vector.broadcast %mul3A_121 : f32 to vector<16xf32>
      %mul3A_123 = arith.mulf %get3A_120, %mul3A_122 : vector<16xf32>
      %swap3A_124 = arith.index_cast %scan3A_92 : i32 to index
      %swap3A_125 = arith.constant 32 : index
      %swap3A_126 = tpu.vector_load %arg10[%swap3A_124, %swap3A_125] {strides = array<i32>} : memref<512x64xf32, #tpu.memory_space<vmem>>, vector<1x16xf32>,
      %swap3A_127 = vector.shape_cast %swap3A_126 : vector<1x16xf32> to vector<16xf32>
      %swap3A_128 = vector.shape_cast %mul3A_123 : vector<16xf32> to vector<1x16xf32>
      tpu.vector_store %arg10[%swap3A_124, %swap3A_125], %swap3A_128 {strides = array<i32>} : memref<512x64xf32, #tpu.memory_space<vmem>>, vector<1x16xf32>,
      %get3A_129 = arith.index_cast %scan3A_92 : i32 to index
      %get3A_130 = arith.constant 48 : index
      %get3A_131 = tpu.vector_load %arg10[%get3A_129, %get3A_130] {strides = array<i32>} : memref<512x64xf32, #tpu.memory_space<vmem>>, vector<1x16xf32>,
      %get3A_132 = vector.shape_cast %get3A_131 : vector<1x16xf32> to vector<16xf32>
      %mul3A_133 = arith.constant 2.500000e-01 : f32
      %mul3A_134 = vector.broadcast %mul3A_133 : f32 to vector<16xf32>
      %mul3A_135 = arith.mulf %get3A_132, %mul3A_134 : vector<16xf32>
      %swap3A_136 = arith.index_cast %scan3A_92 : i32 to index
      %swap3A_137 = arith.constant 48 : index
      %swap3A_138 = tpu.vector_load %arg10[%swap3A_136, %swap3A_137] {strides = array<i32>} : memref<512x64xf32, #tpu.memory_space<vmem>>, vector<1x16xf32>,
      %swap3A_139 = vector.shape_cast %swap3A_138 : vector<1x16xf32> to vector<16xf32>
      %swap3A_140 = vector.shape_cast %mul3A_135 : vector<16xf32> to vector<1x16xf32>
      tpu.vector_store %arg10[%swap3A_136, %swap3A_137], %swap3A_140 {strides = array<i32>} : memref<512x64xf32, #tpu.memory_space<vmem>>, vector<1x16xf32>,
      %scan3A_141 = arith.constant 0 : i32
      %scan3A_142 = arith.constant 2 : i32
      %scan3A_143 = arith.addi %scan3A_42, %scan3A_142 : i32
      %get3A_144 = arith.index_cast %scan3A_143 : i32 to index
      %get3A_145 = arith.constant 0 : index
      %get3A_146 = tpu.vector_load %arg10[%get3A_144, %get3A_145] {strides = array<i32>} : memref<512x64xf32, #tpu.memory_space<vmem>>, vector<1x16xf32>,
      %get3A_147 = vector.shape_cast %get3A_146 : vector<1x16xf32> to vector<16xf32>
      %mul3A_148 = arith.constant 2.500000e-01 : f32
      %mul3A_149 = vector.broadcast %mul3A_148 : f32 to vector<16xf32>
      %mul3A_150 = arith.mulf %get3A_147, %mul3A_149 : vector<16xf32>
      %swap3A_151 = arith.index_cast %scan3A_143 : i32 to index
      %swap3A_152 = arith.constant 0 : index
      %swap3A_153 = tpu.vector_load %arg10[%swap3A_151, %swap3A_152] {strides = array<i32>} : memref<512x64xf32, #tpu.memory_space<vmem>>, vector<1x16xf32>,
      %swap3A_154 = vector.shape_cast %swap3A_153 : vector<1x16xf32> to vector<16xf32>
      %swap3A_155 = vector.shape_cast %mul3A_150 : vector<16xf32> to vector<1x16xf32>
      tpu.vector_store %arg10[%swap3A_151, %swap3A_152], %swap3A_155 {strides = array<i32>} : memref<512x64xf32, #tpu.memory_space<vmem>>, vector<1x16xf32>,
      %get3A_156 = arith.index_cast %scan3A_143 : i32 to index
      %get3A_157 = arith.constant 16 : index
      %get3A_158 = tpu.vector_load %arg10[%get3A_156, %get3A_157] {strides = array<i32>} : memref<512x64xf32, #tpu.memory_space<vmem>>, vector<1x16xf32>,
      %get3A_159 = vector.shape_cast %get3A_158 : vector<1x16xf32> to vector<16xf32>
      %mul3A_160 = arith.constant 2.500000e-01 : f32
      %mul3A_161 = vector.broadcast %mul3A_160 : f32 to vector<16xf32>
      %mul3A_162 = arith.mulf %get3A_159, %mul3A_161 : vector<16xf32>
      %swap3A_163 = arith.index_cast %scan3A_143 : i32 to index
      %swap3A_164 = arith.constant 16 : index
      %swap3A_165 = tpu.vector_load %arg10[%swap3A_163, %swap3A_164] {strides = array<i32>} : memref<512x64xf32, #tpu.memory_space<vmem>>, vector<1x16xf32>,
      %swap3A_166 = vector.shape_cast %swap3A_165 : vector<1x16xf32> to vector<16xf32>
      %swap3A_167 = vector.shape_cast %mul3A_162 : vector<16xf32> to vector<1x16xf32>
      tpu.vector_store %arg10[%swap3A_163, %swap3A_164], %swap3A_167 {strides = array<i32>} : memref<512x64xf32, #tpu.memory_space<vmem>>, vector<1x16xf32>,
      %get3A_168 = arith.index_cast %scan3A_143 : i32 to index
      %get3A_169 = arith.constant 32 : index
      %get3A_170 = tpu.vector_load %arg10[%get3A_168, %get3A_169] {strides = array<i32>} : memref<512x64xf32, #tpu.memory_space<vmem>>, vector<1x16xf32>,
      %get3A_171 = vector.shape_cast %get3A_170 : vector<1x16xf32> to vector<16xf32>
      %mul3A_172 = arith.constant 2.500000e-01 : f32
      %mul3A_173 = vector.broadcast %mul3A_172 : f32 to vector<16xf32>
      %mul3A_174 = arith.mulf %get3A_171, %mul3A_173 : vector<16xf32>
      %swap3A_175 = arith.index_cast %scan3A_143 : i32 to index
      %swap3A_176 = arith.constant 32 : index
      %swap3A_177 = tpu.vector_load %arg10[%swap3A_175, %swap3A_176] {strides = array<i32>} : memref<512x64xf32, #tpu.memory_space<vmem>>, vector<1x16xf32>,
      %swap3A_178 = vector.shape_cast %swap3A_177 : vector<1x16xf32> to vector<16xf32>
      %swap3A_179 = vector.shape_cast %mul3A_174 : vector<16xf32> to vector<1x16xf32>
      tpu.vector_store %arg10[%swap3A_175, %swap3A_176], %swap3A_179 {strides = array<i32>} : memref<512x64xf32, #tpu.memory_space<vmem>>, vector<1x16xf32>,
      %get3A_180 = arith.index_cast %scan3A_143 : i32 to index
      %get3A_181 = arith.constant 48 : index
      %get3A_182 = tpu.vector_load %arg10[%get3A_180, %get3A_181] {strides = array<i32>} : memref<512x64xf32, #tpu.memory_space<vmem>>, vector<1x16xf32>,
      %get3A_183 = vector.shape_cast %get3A_182 : vector<1x16xf32> to vector<16xf32>
      %mul3A_184 = arith.constant 2.500000e-01 : f32
      %mul3A_185 = vector.broadcast %mul3A_184 : f32 to vector<16xf32>
      %mul3A_186 = arith.mulf %get3A_183, %mul3A_185 : vector<16xf32>
      %swap3A_187 = arith.index_cast %scan3A_143 : i32 to index
      %swap3A_188 = arith.constant 48 : index
      %swap3A_189 = tpu.vector_load %arg10[%swap3A_187, %swap3A_188] {strides = array<i32>} : memref<512x64xf32, #tpu.memory_space<vmem>>, vector<1x16xf32>,
      %swap3A_190 = vector.shape_cast %swap3A_189 : vector<1x16xf32> to vector<16xf32>
      %swap3A_191 = vector.shape_cast %mul3A_186 : vector<16xf32> to vector<1x16xf32>
      tpu.vector_store %arg10[%swap3A_187, %swap3A_188], %swap3A_191 {strides = array<i32>} : memref<512x64xf32, #tpu.memory_space<vmem>>, vector<1x16xf32>,
      %scan3A_192 = arith.constant 0 : i32
      %scan3A_193 = arith.constant 3 : i32
      %scan3A_194 = arith.addi %scan3A_42, %scan3A_193 : i32
      %get3A_195 = arith.index_cast %scan3A_194 : i32 to index
      %get3A_196 = arith.constant 0 : index
      %get3A_197 = tpu.vector_load %arg10[%get3A_195, %get3A_196] {strides = array<i32>} : memref<512x64xf32, #tpu.memory_space<vmem>>, vector<1x16xf32>,
      %get3A_198 = vector.shape_cast %get3A_197 : vector<1x16xf32> to vector<16xf32>
      %mul3A_199 = arith.constant 2.500000e-01 : f32
      %mul3A_200 = vector.broadcast %mul3A_199 : f32 to vector<16xf32>
      %mul3A_201 = arith.mulf %get3A_198, %mul3A_200 : vector<16xf32>
      %swap3A_202 = arith.index_cast %scan3A_194 : i32 to index
      %swap3A_203 = arith.constant 0 : index
      %swap3A_204 = tpu.vector_load %arg10[%swap3A_202, %swap3A_203] {strides = array<i32>} : memref<512x64xf32, #tpu.memory_space<vmem>>, vector<1x16xf32>,
      %swap3A_205 = vector.shape_cast %swap3A_204 : vector<1x16xf32> to vector<16xf32>
      %swap3A_206 = vector.shape_cast %mul3A_201 : vector<16xf32> to vector<1x16xf32>
      tpu.vector_store %arg10[%swap3A_202, %swap3A_203], %swap3A_206 {strides = array<i32>} : memref<512x64xf32, #tpu.memory_space<vmem>>, vector<1x16xf32>,
      %get3A_207 = arith.index_cast %scan3A_194 : i32 to index
      %get3A_208 = arith.constant 16 : index
      %get3A_209 = tpu.vector_load %arg10[%get3A_207, %get3A_208] {strides = array<i32>} : memref<512x64xf32, #tpu.memory_space<vmem>>, vector<1x16xf32>,
      %get3A_210 = vector.shape_cast %get3A_209 : vector<1x16xf32> to vector<16xf32>
      %mul3A_211 = arith.constant 2.500000e-01 : f32
      %mul3A_212 = vector.broadcast %mul3A_211 : f32 to vector<16xf32>
      %mul3A_213 = arith.mulf %get3A_210, %mul3A_212 : vector<16xf32>
      %swap3A_214 = arith.index_cast %scan3A_194 : i32 to index
      %swap3A_215 = arith.constant 16 : index
      %swap3A_216 = tpu.vector_load %arg10[%swap3A_214, %swap3A_215] {strides = array<i32>} : memref<512x64xf32, #tpu.memory_space<vmem>>, vector<1x16xf32>,
      %swap3A_217 = vector.shape_cast %swap3A_216 : vector<1x16xf32> to vector<16xf32>
      %swap3A_218 = vector.shape_cast %mul3A_213 : vector<16xf32> to vector<1x16xf32>
      tpu.vector_store %arg10[%swap3A_214, %swap3A_215], %swap3A_218 {strides = array<i32>} : memref<512x64xf32, #tpu.memory_space<vmem>>, vector<1x16xf32>,
      %get3A_219 = arith.index_cast %scan3A_194 : i32 to index
      %get3A_220 = arith.constant 32 : index
      %get3A_221 = tpu.vector_load %arg10[%get3A_219, %get3A_220] {strides = array<i32>} : memref<512x64xf32, #tpu.memory_space<vmem>>, vector<1x16xf32>,
      %get3A_222 = vector.shape_cast %get3A_221 : vector<1x16xf32> to vector<16xf32>
      %mul3A_223 = arith.constant 2.500000e-01 : f32
      %mul3A_224 = vector.broadcast %mul3A_223 : f32 to vector<16xf32>
      %mul3A_225 = arith.mulf %get3A_222, %mul3A_224 : vector<16xf32>
      %swap3A_226 = arith.index_cast %scan3A_194 : i32 to index
      %swap3A_227 = arith.constant 32 : index
      %swap3A_228 = tpu.vector_load %arg10[%swap3A_226, %swap3A_227] {strides = array<i32>} : memref<512x64xf32, #tpu.memory_space<vmem>>, vector<1x16xf32>,
      %swap3A_229 = vector.shape_cast %swap3A_228 : vector<1x16xf32> to vector<16xf32>
      %swap3A_230 = vector.shape_cast %mul3A_225 : vector<16xf32> to vector<1x16xf32>
      tpu.vector_store %arg10[%swap3A_226, %swap3A_227], %swap3A_230 {strides = array<i32>} : memref<512x64xf32, #tpu.memory_space<vmem>>, vector<1x16xf32>,
      %get3A_231 = arith.index_cast %scan3A_194 : i32 to index
      %get3A_232 = arith.constant 48 : index
      %get3A_233 = tpu.vector_load %arg10[%get3A_231, %get3A_232] {strides = array<i32>} : memref<512x64xf32, #tpu.memory_space<vmem>>, vector<1x16xf32>,
      %get3A_234 = vector.shape_cast %get3A_233 : vector<1x16xf32> to vector<16xf32>
      %mul3A_235 = arith.constant 2.500000e-01 : f32
      %mul3A_236 = vector.broadcast %mul3A_235 : f32 to vector<16xf32>
      %mul3A_237 = arith.mulf %get3A_234, %mul3A_236 : vector<16xf32>
      %swap3A_238 = arith.index_cast %scan3A_194 : i32 to index
      %swap3A_239 = arith.constant 48 : index
      %swap3A_240 = tpu.vector_load %arg10[%swap3A_238, %swap3A_239] {strides = array<i32>} : memref<512x64xf32, #tpu.memory_space<vmem>>, vector<1x16xf32>,
      %swap3A_241 = vector.shape_cast %swap3A_240 : vector<1x16xf32> to vector<16xf32>
      %swap3A_242 = vector.shape_cast %mul3A_237 : vector<16xf32> to vector<1x16xf32>
      tpu.vector_store %arg10[%swap3A_238, %swap3A_239], %swap3A_242 {strides = array<i32>} : memref<512x64xf32, #tpu.memory_space<vmem>>, vector<1x16xf32>,
      %scan3A_243 = arith.constant 0 : i32
      %scan3A_244 = arith.constant 4 : i32
      %scan3A_245 = arith.addi %scan3A_42, %scan3A_244 : i32
      %get3A_246 = arith.index_cast %scan3A_245 : i32 to index
      %get3A_247 = arith.constant 0 : index
      %get3A_248 = tpu.vector_load %arg10[%get3A_246, %get3A_247] {strides = array<i32>} : memref<512x64xf32, #tpu.memory_space<vmem>>, vector<1x16xf32>,
      %get3A_249 = vector.shape_cast %get3A_248 : vector<1x16xf32> to vector<16xf32>
      %mul3A_250 = arith.constant 2.500000e-01 : f32
      %mul3A_251 = vector.broadcast %mul3A_250 : f32 to vector<16xf32>
      %mul3A_252 = arith.mulf %get3A_249, %mul3A_251 : vector<16xf32>
      %swap3A_253 = arith.index_cast %scan3A_245 : i32 to index
      %swap3A_254 = arith.constant 0 : index
      %swap3A_255 = tpu.vector_load %arg10[%swap3A_253, %swap3A_254] {strides = array<i32>} : memref<512x64xf32, #tpu.memory_space<vmem>>, vector<1x16xf32>,
      %swap3A_256 = vector.shape_cast %swap3A_255 : vector<1x16xf32> to vector<16xf32>
      %swap3A_257 = vector.shape_cast %mul3A_252 : vector<16xf32> to vector<1x16xf32>
      tpu.vector_store %arg10[%swap3A_253, %swap3A_254], %swap3A_257 {strides = array<i32>} : memref<512x64xf32, #tpu.memory_space<vmem>>, vector<1x16xf32>,
      %get3A_258 = arith.index_cast %scan3A_245 : i32 to index
      %get3A_259 = arith.constant 16 : index
      %get3A_260 = tpu.vector_load %arg10[%get3A_258, %get3A_259] {strides = array<i32>} : memref<512x64xf32, #tpu.memory_space<vmem>>, vector<1x16xf32>,
      %get3A_261 = vector.shape_cast %get3A_260 : vector<1x16xf32> to vector<16xf32>
      %mul3A_262 = arith.constant 2.500000e-01 : f32
      %mul3A_263 = vector.broadcast %mul3A_262 : f32 to vector<16xf32>
      %mul3A_264 = arith.mulf %get3A_261, %mul3A_263 : vector<16xf32>
      %swap3A_265 = arith.index_cast %scan3A_245 : i32 to index
      %swap3A_266 = arith.constant 16 : index
      %swap3A_267 = tpu.vector_load %arg10[%swap3A_265, %swap3A_266] {strides = array<i32>} : memref<512x64xf32, #tpu.memory_space<vmem>>, vector<1x16xf32>,
      %swap3A_268 = vector.shape_cast %swap3A_267 : vector<1x16xf32> to vector<16xf32>
      %swap3A_269 = vector.shape_cast %mul3A_264 : vector<16xf32> to vector<1x16xf32>
      tpu.vector_store %arg10[%swap3A_265, %swap3A_266], %swap3A_269 {strides = array<i32>} : memref<512x64xf32, #tpu.memory_space<vmem>>, vector<1x16xf32>,
      %get3A_270 = arith.index_cast %scan3A_245 : i32 to index
      %get3A_271 = arith.constant 32 : index
      %get3A_272 = tpu.vector_load %arg10[%get3A_270, %get3A_271] {strides = array<i32>} : memref<512x64xf32, #tpu.memory_space<vmem>>, vector<1x16xf32>,
      %get3A_273 = vector.shape_cast %get3A_272 : vector<1x16xf32> to vector<16xf32>
      %mul3A_274 = arith.constant 2.500000e-01 : f32
      %mul3A_275 = vector.broadcast %mul3A_274 : f32 to vector<16xf32>
      %mul3A_276 = arith.mulf %get3A_273, %mul3A_275 : vector<16xf32>
      %swap3A_277 = arith.index_cast %scan3A_245 : i32 to index
      %swap3A_278 = arith.constant 32 : index
      %swap3A_279 = tpu.vector_load %arg10[%swap3A_277, %swap3A_278] {strides = array<i32>} : memref<512x64xf32, #tpu.memory_space<vmem>>, vector<1x16xf32>,
      %swap3A_280 = vector.shape_cast %swap3A_279 : vector<1x16xf32> to vector<16xf32>
      %swap3A_281 = vector.shape_cast %mul3A_276 : vector<16xf32> to vector<1x16xf32>
      tpu.vector_store %arg10[%swap3A_277, %swap3A_278], %swap3A_281 {strides = array<i32>} : memref<512x64xf32, #tpu.memory_space<vmem>>, vector<1x16xf32>,
      %get3A_282 = arith.index_cast %scan3A_245 : i32 to index
      %get3A_283 = arith.constant 48 : index
      %get3A_284 = tpu.vector_load %arg10[%get3A_282, %get3A_283] {strides = array<i32>} : memref<512x64xf32, #tpu.memory_space<vmem>>, vector<1x16xf32>,
      %get3A_285 = vector.shape_cast %get3A_284 : vector<1x16xf32> to vector<16xf32>
      %mul3A_286 = arith.constant 2.500000e-01 : f32
      %mul3A_287 = vector.broadcast %mul3A_286 : f32 to vector<16xf32>
      %mul3A_288 = arith.mulf %get3A_285, %mul3A_287 : vector<16xf32>
      %swap3A_289 = arith.index_cast %scan3A_245 : i32 to index
      %swap3A_290 = arith.constant 48 : index
      %swap3A_291 = tpu.vector_load %arg10[%swap3A_289, %swap3A_290] {strides = array<i32>} : memref<512x64xf32, #tpu.memory_space<vmem>>, vector<1x16xf32>,
      %swap3A_292 = vector.shape_cast %swap3A_291 : vector<1x16xf32> to vector<16xf32>
      %swap3A_293 = vector.shape_cast %mul3A_288 : vector<16xf32> to vector<1x16xf32>
      tpu.vector_store %arg10[%swap3A_289, %swap3A_290], %swap3A_293 {strides = array<i32>} : memref<512x64xf32, #tpu.memory_space<vmem>>, vector<1x16xf32>,
      %scan3A_294 = arith.constant 0 : i32
      %scan3A_295 = arith.constant 5 : i32
      %scan3A_296 = arith.addi %scan3A_42, %scan3A_295 : i32
      %get3A_297 = arith.index_cast %scan3A_296 : i32 to index
      %get3A_298 = arith.constant 0 : index
      %get3A_299 = tpu.vector_load %arg10[%get3A_297, %get3A_298] {strides = array<i32>} : memref<512x64xf32, #tpu.memory_space<vmem>>, vector<1x16xf32>,
      %get3A_300 = vector.shape_cast %get3A_299 : vector<1x16xf32> to vector<16xf32>
      %mul3A_301 = arith.constant 2.500000e-01 : f32
      %mul3A_302 = vector.broadcast %mul3A_301 : f32 to vector<16xf32>
      %mul3A_303 = arith.mulf %get3A_300, %mul3A_302 : vector<16xf32>
      %swap3A_304 = arith.index_cast %scan3A_296 : i32 to index
      %swap3A_305 = arith.constant 0 : index
      %swap3A_306 = tpu.vector_load %arg10[%swap3A_304, %swap3A_305] {strides = array<i32>} : memref<512x64xf32, #tpu.memory_space<vmem>>, vector<1x16xf32>,
      %swap3A_307 = vector.shape_cast %swap3A_306 : vector<1x16xf32> to vector<16xf32>
      %swap3A_308 = vector.shape_cast %mul3A_303 : vector<16xf32> to vector<1x16xf32>
      tpu.vector_store %arg10[%swap3A_304, %swap3A_305], %swap3A_308 {strides = array<i32>} : memref<512x64xf32, #tpu.memory_space<vmem>>, vector<1x16xf32>,
      %get3A_309 = arith.index_cast %scan3A_296 : i32 to index
      %get3A_310 = arith.constant 16 : index
      %get3A_311 = tpu.vector_load %arg10[%get3A_309, %get3A_310] {strides = array<i32>} : memref<512x64xf32, #tpu.memory_space<vmem>>, vector<1x16xf32>,
      %get3A_312 = vector.shape_cast %get3A_311 : vector<1x16xf32> to vector<16xf32>
      %mul3A_313 = arith.constant 2.500000e-01 : f32
      %mul3A_314 = vector.broadcast %mul3A_313 : f32 to vector<16xf32>
      %mul3A_315 = arith.mulf %get3A_312, %mul3A_314 : vector<16xf32>
      %swap3A_316 = arith.index_cast %scan3A_296 : i32 to index
      %swap3A_317 = arith.constant 16 : index
      %swap3A_318 = tpu.vector_load %arg10[%swap3A_316, %swap3A_317] {strides = array<i32>} : memref<512x64xf32, #tpu.memory_space<vmem>>, vector<1x16xf32>,
      %swap3A_319 = vector.shape_cast %swap3A_318 : vector<1x16xf32> to vector<16xf32>
      %swap3A_320 = vector.shape_cast %mul3A_315 : vector<16xf32> to vector<1x16xf32>
      tpu.vector_store %arg10[%swap3A_316, %swap3A_317], %swap3A_320 {strides = array<i32>} : memref<512x64xf32, #tpu.memory_space<vmem>>, vector<1x16xf32>,
      %get3A_321 = arith.index_cast %scan3A_296 : i32 to index
      %get3A_322 = arith.constant 32 : index
      %get3A_323 = tpu.vector_load %arg10[%get3A_321, %get3A_322] {strides = array<i32>} : memref<512x64xf32, #tpu.memory_space<vmem>>, vector<1x16xf32>,
      %get3A_324 = vector.shape_cast %get3A_323 : vector<1x16xf32> to vector<16xf32>
      %mul3A_325 = arith.constant 2.500000e-01 : f32
      %mul3A_326 = vector.broadcast %mul3A_325 : f32 to vector<16xf32>
      %mul3A_327 = arith.mulf %get3A_324, %mul3A_326 : vector<16xf32>
      %swap3A_328 = arith.index_cast %scan3A_296 : i32 to index
      %swap3A_329 = arith.constant 32 : index
      %swap3A_330 = tpu.vector_load %arg10[%swap3A_328, %swap3A_329] {strides = array<i32>} : memref<512x64xf32, #tpu.memory_space<vmem>>, vector<1x16xf32>,
      %swap3A_331 = vector.shape_cast %swap3A_330 : vector<1x16xf32> to vector<16xf32>
      %swap3A_332 = vector.shape_cast %mul3A_327 : vector<16xf32> to vector<1x16xf32>
      tpu.vector_store %arg10[%swap3A_328, %swap3A_329], %swap3A_332 {strides = array<i32>} : memref<512x64xf32, #tpu.memory_space<vmem>>, vector<1x16xf32>,
      %get3A_333 = arith.index_cast %scan3A_296 : i32 to index
      %get3A_334 = arith.constant 48 : index
      %get3A_335 = tpu.vector_load %arg10[%get3A_333, %get3A_334] {strides = array<i32>} : memref<512x64xf32, #tpu.memory_space<vmem>>, vector<1x16xf32>,
      %get3A_336 = vector.shape_cast %get3A_335 : vector<1x16xf32> to vector<16xf32>
      %mul3A_337 = arith.constant 2.500000e-01 : f32
      %mul3A_338 = vector.broadcast %mul3A_337 : f32 to vector<16xf32>
      %mul3A_339 = arith.mulf %get3A_336, %mul3A_338 : vector<16xf32>
      %swap3A_340 = arith.index_cast %scan3A_296 : i32 to index
      %swap3A_341 = arith.constant 48 : index
      %swap3A_342 = tpu.vector_load %arg10[%swap3A_340, %swap3A_341] {strides = array<i32>} : memref<512x64xf32, #tpu.memory_space<vmem>>, vector<1x16xf32>,
      %swap3A_343 = vector.shape_cast %swap3A_342 : vector<1x16xf32> to vector<16xf32>
      %swap3A_344 = vector.shape_cast %mul3A_339 : vector<16xf32> to vector<1x16xf32>
      tpu.vector_store %arg10[%swap3A_340, %swap3A_341], %swap3A_344 {strides = array<i32>} : memref<512x64xf32, #tpu.memory_space<vmem>>, vector<1x16xf32>,
      %scan3A_345 = arith.constant 0 : i32
      %scan3A_346 = arith.constant 6 : i32
      %scan3A_347 = arith.addi %scan3A_42, %scan3A_346 : i32
      %get3A_348 = arith.index_cast %scan3A_347 : i32 to index
      %get3A_349 = arith.constant 0 : index
      %get3A_350 = tpu.vector_load %arg10[%get3A_348, %get3A_349] {strides = array<i32>} : memref<512x64xf32, #tpu.memory_space<vmem>>, vector<1x16xf32>,
      %get3A_351 = vector.shape_cast %get3A_350 : vector<1x16xf32> to vector<16xf32>
      %mul3A_352 = arith.constant 2.500000e-01 : f32
      %mul3A_353 = vector.broadcast %mul3A_352 : f32 to vector<16xf32>
      %mul3A_354 = arith.mulf %get3A_351, %mul3A_353 : vector<16xf32>
      %swap3A_355 = arith.index_cast %scan3A_347 : i32 to index
      %swap3A_356 = arith.constant 0 : index
      %swap3A_357 = tpu.vector_load %arg10[%swap3A_355, %swap3A_356] {strides = array<i32>} : memref<512x64xf32, #tpu.memory_space<vmem>>, vector<1x16xf32>,
      %swap3A_358 = vector.shape_cast %swap3A_357 : vector<1x16xf32> to vector<16xf32>
      %swap3A_359 = vector.shape_cast %mul3A_354 : vector<16xf32> to vector<1x16xf32>
      tpu.vector_store %arg10[%swap3A_355, %swap3A_356], %swap3A_359 {strides = array<i32>} : memref<512x64xf32, #tpu.memory_space<vmem>>, vector<1x16xf32>,
      %get3A_360 = arith.index_cast %scan3A_347 : i32 to index
      %get3A_361 = arith.constant 16 : index
      %get3A_362 = tpu.vector_load %arg10[%get3A_360, %get3A_361] {strides = array<i32>} : memref<512x64xf32, #tpu.memory_space<vmem>>, vector<1x16xf32>,
      %get3A_363 = vector.shape_cast %get3A_362 : vector<1x16xf32> to vector<16xf32>
      %mul3A_364 = arith.constant 2.500000e-01 : f32
      %mul3A_365 = vector.broadcast %mul3A_364 : f32 to vector<16xf32>
      %mul3A_366 = arith.mulf %get3A_363, %mul3A_365 : vector<16xf32>
      %swap3A_367 = arith.index_cast %scan3A_347 : i32 to index
      %swap3A_368 = arith.constant 16 : index
      %swap3A_369 = tpu.vector_load %arg10[%swap3A_367, %swap3A_368] {strides = array<i32>} : memref<512x64xf32, #tpu.memory_space<vmem>>, vector<1x16xf32>,
      %swap3A_370 = vector.shape_cast %swap3A_369 : vector<1x16xf32> to vector<16xf32>
      %swap3A_371 = vector.shape_cast %mul3A_366 : vector<16xf32> to vector<1x16xf32>
      tpu.vector_store %arg10[%swap3A_367, %swap3A_368], %swap3A_371 {strides = array<i32>} : memref<512x64xf32, #tpu.memory_space<vmem>>, vector<1x16xf32>,
      %get3A_372 = arith.index_cast %scan3A_347 : i32 to index
      %get3A_373 = arith.constant 32 : index
      %get3A_374 = tpu.vector_load %arg10[%get3A_372, %get3A_373] {strides = array<i32>} : memref<512x64xf32, #tpu.memory_space<vmem>>, vector<1x16xf32>,
      %get3A_375 = vector.shape_cast %get3A_374 : vector<1x16xf32> to vector<16xf32>
      %mul3A_376 = arith.constant 2.500000e-01 : f32
      %mul3A_377 = vector.broadcast %mul3A_376 : f32 to vector<16xf32>
      %mul3A_378 = arith.mulf %get3A_375, %mul3A_377 : vector<16xf32>
      %swap3A_379 = arith.index_cast %scan3A_347 : i32 to index
      %swap3A_380 = arith.constant 32 : index
      %swap3A_381 = tpu.vector_load %arg10[%swap3A_379, %swap3A_380] {strides = array<i32>} : memref<512x64xf32, #tpu.memory_space<vmem>>, vector<1x16xf32>,
      %swap3A_382 = vector.shape_cast %swap3A_381 : vector<1x16xf32> to vector<16xf32>
      %swap3A_383 = vector.shape_cast %mul3A_378 : vector<16xf32> to vector<1x16xf32>
      tpu.vector_store %arg10[%swap3A_379, %swap3A_380], %swap3A_383 {strides = array<i32>} : memref<512x64xf32, #tpu.memory_space<vmem>>, vector<1x16xf32>,
      %get3A_384 = arith.index_cast %scan3A_347 : i32 to index
      %get3A_385 = arith.constant 48 : index
      %get3A_386 = tpu.vector_load %arg10[%get3A_384, %get3A_385] {strides = array<i32>} : memref<512x64xf32, #tpu.memory_space<vmem>>, vector<1x16xf32>,
      %get3A_387 = vector.shape_cast %get3A_386 : vector<1x16xf32> to vector<16xf32>
      %mul3A_388 = arith.constant 2.500000e-01 : f32
      %mul3A_389 = vector.broadcast %mul3A_388 : f32 to vector<16xf32>
      %mul3A_390 = arith.mulf %get3A_387, %mul3A_389 : vector<16xf32>
      %swap3A_391 = arith.index_cast %scan3A_347 : i32 to index
      %swap3A_392 = arith.constant 48 : index
      %swap3A_393 = tpu.vector_load %arg10[%swap3A_391, %swap3A_392] {strides = array<i32>} : memref<512x64xf32, #tpu.memory_space<vmem>>, vector<1x16xf32>,
      %swap3A_394 = vector.shape_cast %swap3A_393 : vector<1x16xf32> to vector<16xf32>
      %swap3A_395 = vector.shape_cast %mul3A_390 : vector<16xf32> to vector<1x16xf32>
      tpu.vector_store %arg10[%swap3A_391, %swap3A_392], %swap3A_395 {strides = array<i32>} : memref<512x64xf32, #tpu.memory_space<vmem>>, vector<1x16xf32>,
      %scan3A_396 = arith.constant 0 : i32
      %scan3A_397 = arith.constant 7 : i32
      %scan3A_398 = arith.addi %scan3A_42, %scan3A_397 : i32
      %get3A_399 = arith.index_cast %scan3A_398 : i32 to index
      %get3A_400 = arith.constant 0 : index
      %get3A_401 = tpu.vector_load %arg10[%get3A_399, %get3A_400] {strides = array<i32>} : memref<512x64xf32, #tpu.memory_space<vmem>>, vector<1x16xf32>,
      %get3A_402 = vector.shape_cast %get3A_401 : vector<1x16xf32> to vector<16xf32>
      %mul3A_403 = arith.constant 2.500000e-01 : f32
      %mul3A_404 = vector.broadcast %mul3A_403 : f32 to vector<16xf32>
      %mul3A_405 = arith.mulf %get3A_402, %mul3A_404 : vector<16xf32>
      %swap3A_406 = arith.index_cast %scan3A_398 : i32 to index
      %swap3A_407 = arith.constant 0 : index
      %swap3A_408 = tpu.vector_load %arg10[%swap3A_406, %swap3A_407] {strides = array<i32>} : memref<512x64xf32, #tpu.memory_space<vmem>>, vector<1x16xf32>,
      %swap3A_409 = vector.shape_cast %swap3A_408 : vector<1x16xf32> to vector<16xf32>
      %swap3A_410 = vector.shape_cast %mul3A_405 : vector<16xf32> to vector<1x16xf32>
      tpu.vector_store %arg10[%swap3A_406, %swap3A_407], %swap3A_410 {strides = array<i32>} : memref<512x64xf32, #tpu.memory_space<vmem>>, vector<1x16xf32>,
      %get3A_411 = arith.index_cast %scan3A_398 : i32 to index
      %get3A_412 = arith.constant 16 : index
      %get3A_413 = tpu.vector_load %arg10[%get3A_411, %get3A_412] {strides = array<i32>} : memref<512x64xf32, #tpu.memory_space<vmem>>, vector<1x16xf32>,
      %get3A_414 = vector.shape_cast %get3A_413 : vector<1x16xf32> to vector<16xf32>
      %mul3A_415 = arith.constant 2.500000e-01 : f32
      %mul3A_416 = vector.broadcast %mul3A_415 : f32 to vector<16xf32>
      %mul3A_417 = arith.mulf %get3A_414, %mul3A_416 : vector<16xf32>
      %swap3A_418 = arith.index_cast %scan3A_398 : i32 to index
      %swap3A_419 = arith.constant 16 : index
      %swap3A_420 = tpu.vector_load %arg10[%swap3A_418, %swap3A_419] {strides = array<i32>} : memref<512x64xf32, #tpu.memory_space<vmem>>, vector<1x16xf32>,
      %swap3A_421 = vector.shape_cast %swap3A_420 : vector<1x16xf32> to vector<16xf32>
      %swap3A_422 = vector.shape_cast %mul3A_417 : vector<16xf32> to vector<1x16xf32>
      tpu.vector_store %arg10[%swap3A_418, %swap3A_419], %swap3A_422 {strides = array<i32>} : memref<512x64xf32, #tpu.memory_space<vmem>>, vector<1x16xf32>,
      %get3A_423 = arith.index_cast %scan3A_398 : i32 to index
      %get3A_424 = arith.constant 32 : index
      %get3A_425 = tpu.vector_load %arg10[%get3A_423, %get3A_424] {strides = array<i32>} : memref<512x64xf32, #tpu.memory_space<vmem>>, vector<1x16xf32>,
      %get3A_426 = vector.shape_cast %get3A_425 : vector<1x16xf32> to vector<16xf32>
      %mul3A_427 = arith.constant 2.500000e-01 : f32
      %mul3A_428 = vector.broadcast %mul3A_427 : f32 to vector<16xf32>
      %mul3A_429 = arith.mulf %get3A_426, %mul3A_428 : vector<16xf32>
      %swap3A_430 = arith.index_cast %scan3A_398 : i32 to index
      %swap3A_431 = arith.constant 32 : index
      %swap3A_432 = tpu.vector_load %arg10[%swap3A_430, %swap3A_431] {strides = array<i32>} : memref<512x64xf32, #tpu.memory_space<vmem>>, vector<1x16xf32>,
      %swap3A_433 = vector.shape_cast %swap3A_432 : vector<1x16xf32> to vector<16xf32>
      %swap3A_434 = vector.shape_cast %mul3A_429 : vector<16xf32> to vector<1x16xf32>
      tpu.vector_store %arg10[%swap3A_430, %swap3A_431], %swap3A_434 {strides = array<i32>} : memref<512x64xf32, #tpu.memory_space<vmem>>, vector<1x16xf32>,
      %get3A_435 = arith.index_cast %scan3A_398 : i32 to index
      %get3A_436 = arith.constant 48 : index
      %get3A_437 = tpu.vector_load %arg10[%get3A_435, %get3A_436] {strides = array<i32>} : memref<512x64xf32, #tpu.memory_space<vmem>>, vector<1x16xf32>,
      %get3A_438 = vector.shape_cast %get3A_437 : vector<1x16xf32> to vector<16xf32>
      %mul3A_439 = arith.constant 2.500000e-01 : f32
      %mul3A_440 = vector.broadcast %mul3A_439 : f32 to vector<16xf32>
      %mul3A_441 = arith.mulf %get3A_438, %mul3A_440 : vector<16xf32>
      %swap3A_442 = arith.index_cast %scan3A_398 : i32 to index
      %swap3A_443 = arith.constant 48 : index
      %swap3A_444 = tpu.vector_load %arg10[%swap3A_442, %swap3A_443] {strides = array<i32>} : memref<512x64xf32, #tpu.memory_space<vmem>>, vector<1x16xf32>,
      %swap3A_445 = vector.shape_cast %swap3A_444 : vector<1x16xf32> to vector<16xf32>
      %swap3A_446 = vector.shape_cast %mul3A_441 : vector<16xf32> to vector<1x16xf32>
      tpu.vector_store %arg10[%swap3A_442, %swap3A_443], %swap3A_446 {strides = array<i32>} : memref<512x64xf32, #tpu.memory_space<vmem>>, vector<1x16xf32>,
      %scan3A_447 = arith.constant 0 : i32
      scf.yield %scan3A_447 : i32
    }
    %scan3A_15 = arith.constant 512 : i32
    %dma_start3A_16 = arith.constant 0 : i32
    %dma_start3A_17 = tpu.memref_slice %arg6[%mul3A_2, %dma_start3A_16] : memref<16384x64xf32, #tpu.memory_space<hbm>> -> memref<512x64xf32, #tpu.memory_space<hbm>>
    %dma_start3A_18 = arith.constant 0 : i32
    %dma_start3A_19 = tpu.memref_slice %arg6[%mul3A_2, %dma_start3A_18] : memref<16384x64xf32, #tpu.memory_space<hbm>> -> memref<512x64xf32, #tpu.memory_space<hbm>>
    tpu.enqueue_dma source(%arg10 : memref<512x64xf32, #tpu.memory_space<vmem>>) target(%dma_start3A_19 : memref<512x64xf32, #tpu.memory_space<hbm>>) target_semaphore(%arg14 : memref<!tpu.dma_semaphore, #tpu.memory_space<semaphore_mem>>)
    %dma_wait3A_20 = arith.constant 0 : i32
    %dma_wait3A_21 = arith.constant 0 : i32
    %dma_wait3A_22 = tpu.memref_slice %arg5[%dma_wait3A_20, %dma_wait3A_21] : memref<100000x64xf32, #tpu.memory_space<hbm>> -> memref<100000x64xf32, #tpu.memory_space<hbm>>
    tpu.wait_indirect_dma semaphore(%arg13 : memref<!tpu.dma_semaphore, #tpu.memory_space<semaphore_mem>>) src(%dma_wait3A_22 : memref<100000x64xf32, #tpu.memory_space<hbm>>) dst(%arg11 : memref<512x64xf32, #tpu.memory_space<vmem>>)
    %scan3A_23 = arith.constant 0 : i32
    %scan3A_24 = arith.constant 0 : i32
    %scan3A_25 = arith.constant 512 : i32
    %scan3A_26 = arith.addi %scan3A_24, %scan3A_25 : i32
    %scan3A_27 = arith.constant 8 : i32
    %scan3A_28 = scf.for %scan3A_42 = %scan3A_24 to %scan3A_26 step %scan3A_27 iter_args(%scan3A_43 = %scan3A_23) -> (i32)  : i32 {
      %get3A = arith.index_cast %scan3A_42 : i32 to index
      %get3A_44 = arith.constant 0 : index
      %get3A_45 = tpu.vector_load %arg11[%get3A, %get3A_44] {strides = array<i32>} : memref<512x64xf32, #tpu.memory_space<vmem>>, vector<1x16xf32>,
      %get3A_46 = vector.shape_cast %get3A_45 : vector<1x16xf32> to vector<16xf32>
      %mul3A_47 = arith.constant 2.500000e-01 : f32
      %mul3A_48 = vector.broadcast %mul3A_47 : f32 to vector<16xf32>
      %mul3A_49 = arith.mulf %get3A_46, %mul3A_48 : vector<16xf32>
      %swap3A = arith.index_cast %scan3A_42 : i32 to index
      %swap3A_50 = arith.constant 0 : index
      %swap3A_51 = tpu.vector_load %arg11[%swap3A, %swap3A_50] {strides = array<i32>} : memref<512x64xf32, #tpu.memory_space<vmem>>, vector<1x16xf32>,
      %swap3A_52 = vector.shape_cast %swap3A_51 : vector<1x16xf32> to vector<16xf32>
      %swap3A_53 = vector.shape_cast %mul3A_49 : vector<16xf32> to vector<1x16xf32>
      tpu.vector_store %arg11[%swap3A, %swap3A_50], %swap3A_53 {strides = array<i32>} : memref<512x64xf32, #tpu.memory_space<vmem>>, vector<1x16xf32>,
      %get3A_54 = arith.index_cast %scan3A_42 : i32 to index
      %get3A_55 = arith.constant 16 : index
      %get3A_56 = tpu.vector_load %arg11[%get3A_54, %get3A_55] {strides = array<i32>} : memref<512x64xf32, #tpu.memory_space<vmem>>, vector<1x16xf32>,
      %get3A_57 = vector.shape_cast %get3A_56 : vector<1x16xf32> to vector<16xf32>
      %mul3A_58 = arith.constant 2.500000e-01 : f32
      %mul3A_59 = vector.broadcast %mul3A_58 : f32 to vector<16xf32>
      %mul3A_60 = arith.mulf %get3A_57, %mul3A_59 : vector<16xf32>
      %swap3A_61 = arith.index_cast %scan3A_42 : i32 to index
      %swap3A_62 = arith.constant 16 : index
      %swap3A_63 = tpu.vector_load %arg11[%swap3A_61, %swap3A_62] {strides = array<i32>} : memref<512x64xf32, #tpu.memory_space<vmem>>, vector<1x16xf32>,
      %swap3A_64 = vector.shape_cast %swap3A_63 : vector<1x16xf32> to vector<16xf32>
      %swap3A_65 = vector.shape_cast %mul3A_60 : vector<16xf32> to vector<1x16xf32>
      tpu.vector_store %arg11[%swap3A_61, %swap3A_62], %swap3A_65 {strides = array<i32>} : memref<512x64xf32, #tpu.memory_space<vmem>>, vector<1x16xf32>,
      %get3A_66 = arith.index_cast %scan3A_42 : i32 to index
      %get3A_67 = arith.constant 32 : index
      %get3A_68 = tpu.vector_load %arg11[%get3A_66, %get3A_67] {strides = array<i32>} : memref<512x64xf32, #tpu.memory_space<vmem>>, vector<1x16xf32>,
      %get3A_69 = vector.shape_cast %get3A_68 : vector<1x16xf32> to vector<16xf32>
      %mul3A_70 = arith.constant 2.500000e-01 : f32
      %mul3A_71 = vector.broadcast %mul3A_70 : f32 to vector<16xf32>
      %mul3A_72 = arith.mulf %get3A_69, %mul3A_71 : vector<16xf32>
      %swap3A_73 = arith.index_cast %scan3A_42 : i32 to index
      %swap3A_74 = arith.constant 32 : index
      %swap3A_75 = tpu.vector_load %arg11[%swap3A_73, %swap3A_74] {strides = array<i32>} : memref<512x64xf32, #tpu.memory_space<vmem>>, vector<1x16xf32>,
      %swap3A_76 = vector.shape_cast %swap3A_75 : vector<1x16xf32> to vector<16xf32>
      %swap3A_77 = vector.shape_cast %mul3A_72 : vector<16xf32> to vector<1x16xf32>
      tpu.vector_store %arg11[%swap3A_73, %swap3A_74], %swap3A_77 {strides = array<i32>} : memref<512x64xf32, #tpu.memory_space<vmem>>, vector<1x16xf32>,
      %get3A_78 = arith.index_cast %scan3A_42 : i32 to index
      %get3A_79 = arith.constant 48 : index
      %get3A_80 = tpu.vector_load %arg11[%get3A_78, %get3A_79] {strides = array<i32>} : memref<512x64xf32, #tpu.memory_space<vmem>>, vector<1x16xf32>,
      %get3A_81 = vector.shape_cast %get3A_80 : vector<1x16xf32> to vector<16xf32>
      %mul3A_82 = arith.constant 2.500000e-01 : f32
      %mul3A_83 = vector.broadcast %mul3A_82 : f32 to vector<16xf32>
      %mul3A_84 = arith.mulf %get3A_81, %mul3A_83 : vector<16xf32>
      %swap3A_85 = arith.index_cast %scan3A_42 : i32 to index
      %swap3A_86 = arith.constant 48 : index
      %swap3A_87 = tpu.vector_load %arg11[%swap3A_85, %swap3A_86] {strides = array<i32>} : memref<512x64xf32, #tpu.memory_space<vmem>>, vector<1x16xf32>,
      %swap3A_88 = vector.shape_cast %swap3A_87 : vector<1x16xf32> to vector<16xf32>
      %swap3A_89 = vector.shape_cast %mul3A_84 : vector<16xf32> to vector<1x16xf32>
      tpu.vector_store %arg11[%swap3A_85, %swap3A_86], %swap3A_89 {strides = array<i32>} : memref<512x64xf32, #tpu.memory_space<vmem>>, vector<1x16xf32>,
      %scan3A_90 = arith.constant 0 : i32
      %scan3A_91 = arith.constant 1 : i32
      %scan3A_92 = arith.addi %scan3A_42, %scan3A_91 : i32
      %get3A_93 = arith.index_cast %scan3A_92 : i32 to index
      %get3A_94 = arith.constant 0 : index
      %get3A_95 = tpu.vector_load %arg11[%get3A_93, %get3A_94] {strides = array<i32>} : memref<512x64xf32, #tpu.memory_space<vmem>>, vector<1x16xf32>,
      %get3A_96 = vector.shape_cast %get3A_95 : vector<1x16xf32> to vector<16xf32>
      %mul3A_97 = arith.constant 2.500000e-01 : f32
      %mul3A_98 = vector.broadcast %mul3A_97 : f32 to vector<16xf32>
      %mul3A_99 = arith.mulf %get3A_96, %mul3A_98 : vector<16xf32>
      %swap3A_100 = arith.index_cast %scan3A_92 : i32 to index
      %swap3A_101 = arith.constant 0 : index
      %swap3A_102 = tpu.vector_load %arg11[%swap3A_100, %swap3A_101] {strides = array<i32>} : memref<512x64xf32, #tpu.memory_space<vmem>>, vector<1x16xf32>,
      %swap3A_103 = vector.shape_cast %swap3A_102 : vector<1x16xf32> to vector<16xf32>
      %swap3A_104 = vector.shape_cast %mul3A_99 : vector<16xf32> to vector<1x16xf32>
      tpu.vector_store %arg11[%swap3A_100, %swap3A_101], %swap3A_104 {strides = array<i32>} : memref<512x64xf32, #tpu.memory_space<vmem>>, vector<1x16xf32>,
      %get3A_105 = arith.index_cast %scan3A_92 : i32 to index
      %get3A_106 = arith.constant 16 : index
      %get3A_107 = tpu.vector_load %arg11[%get3A_105, %get3A_106] {strides = array<i32>} : memref<512x64xf32, #tpu.memory_space<vmem>>, vector<1x16xf32>,
      %get3A_108 = vector.shape_cast %get3A_107 : vector<1x16xf32> to vector<16xf32>
      %mul3A_109 = arith.constant 2.500000e-01 : f32
      %mul3A_110 = vector.broadcast %mul3A_109 : f32 to vector<16xf32>
      %mul3A_111 = arith.mulf %get3A_108, %mul3A_110 : vector<16xf32>
      %swap3A_112 = arith.index_cast %scan3A_92 : i32 to index
      %swap3A_113 = arith.constant 16 : index
      %swap3A_114 = tpu.vector_load %arg11[%swap3A_112, %swap3A_113] {strides = array<i32>} : memref<512x64xf32, #tpu.memory_space<vmem>>, vector<1x16xf32>,
      %swap3A_115 = vector.shape_cast %swap3A_114 : vector<1x16xf32> to vector<16xf32>
      %swap3A_116 = vector.shape_cast %mul3A_111 : vector<16xf32> to vector<1x16xf32>
      tpu.vector_store %arg11[%swap3A_112, %swap3A_113], %swap3A_116 {strides = array<i32>} : memref<512x64xf32, #tpu.memory_space<vmem>>, vector<1x16xf32>,
      %get3A_117 = arith.index_cast %scan3A_92 : i32 to index
      %get3A_118 = arith.constant 32 : index
      %get3A_119 = tpu.vector_load %arg11[%get3A_117, %get3A_118] {strides = array<i32>} : memref<512x64xf32, #tpu.memory_space<vmem>>, vector<1x16xf32>,
      %get3A_120 = vector.shape_cast %get3A_119 : vector<1x16xf32> to vector<16xf32>
      %mul3A_121 = arith.constant 2.500000e-01 : f32
      %mul3A_122 = vector.broadcast %mul3A_121 : f32 to vector<16xf32>
      %mul3A_123 = arith.mulf %get3A_120, %mul3A_122 : vector<16xf32>
      %swap3A_124 = arith.index_cast %scan3A_92 : i32 to index
      %swap3A_125 = arith.constant 32 : index
      %swap3A_126 = tpu.vector_load %arg11[%swap3A_124, %swap3A_125] {strides = array<i32>} : memref<512x64xf32, #tpu.memory_space<vmem>>, vector<1x16xf32>,
      %swap3A_127 = vector.shape_cast %swap3A_126 : vector<1x16xf32> to vector<16xf32>
      %swap3A_128 = vector.shape_cast %mul3A_123 : vector<16xf32> to vector<1x16xf32>
      tpu.vector_store %arg11[%swap3A_124, %swap3A_125], %swap3A_128 {strides = array<i32>} : memref<512x64xf32, #tpu.memory_space<vmem>>, vector<1x16xf32>,
      %get3A_129 = arith.index_cast %scan3A_92 : i32 to index
      %get3A_130 = arith.constant 48 : index
      %get3A_131 = tpu.vector_load %arg11[%get3A_129, %get3A_130] {strides = array<i32>} : memref<512x64xf32, #tpu.memory_space<vmem>>, vector<1x16xf32>,
      %get3A_132 = vector.shape_cast %get3A_131 : vector<1x16xf32> to vector<16xf32>
      %mul3A_133 = arith.constant 2.500000e-01 : f32
      %mul3A_134 = vector.broadcast %mul3A_133 : f32 to vector<16xf32>
      %mul3A_135 = arith.mulf %get3A_132, %mul3A_134 : vector<16xf32>
      %swap3A_136 = arith.index_cast %scan3A_92 : i32 to index
      %swap3A_137 = arith.constant 48 : index
      %swap3A_138 = tpu.vector_load %arg11[%swap3A_136, %swap3A_137] {strides = array<i32>} : memref<512x64xf32, #tpu.memory_space<vmem>>, vector<1x16xf32>,
      %swap3A_139 = vector.shape_cast %swap3A_138 : vector<1x16xf32> to vector<16xf32>
      %swap3A_140 = vector.shape_cast %mul3A_135 : vector<16xf32> to vector<1x16xf32>
      tpu.vector_store %arg11[%swap3A_136, %swap3A_137], %swap3A_140 {strides = array<i32>} : memref<512x64xf32, #tpu.memory_space<vmem>>, vector<1x16xf32>,
      %scan3A_141 = arith.constant 0 : i32
      %scan3A_142 = arith.constant 2 : i32
      %scan3A_143 = arith.addi %scan3A_42, %scan3A_142 : i32
      %get3A_144 = arith.index_cast %scan3A_143 : i32 to index
      %get3A_145 = arith.constant 0 : index
      %get3A_146 = tpu.vector_load %arg11[%get3A_144, %get3A_145] {strides = array<i32>} : memref<512x64xf32, #tpu.memory_space<vmem>>, vector<1x16xf32>,
      %get3A_147 = vector.shape_cast %get3A_146 : vector<1x16xf32> to vector<16xf32>
      %mul3A_148 = arith.constant 2.500000e-01 : f32
      %mul3A_149 = vector.broadcast %mul3A_148 : f32 to vector<16xf32>
      %mul3A_150 = arith.mulf %get3A_147, %mul3A_149 : vector<16xf32>
      %swap3A_151 = arith.index_cast %scan3A_143 : i32 to index
      %swap3A_152 = arith.constant 0 : index
      %swap3A_153 = tpu.vector_load %arg11[%swap3A_151, %swap3A_152] {strides = array<i32>} : memref<512x64xf32, #tpu.memory_space<vmem>>, vector<1x16xf32>,
      %swap3A_154 = vector.shape_cast %swap3A_153 : vector<1x16xf32> to vector<16xf32>
      %swap3A_155 = vector.shape_cast %mul3A_150 : vector<16xf32> to vector<1x16xf32>
      tpu.vector_store %arg11[%swap3A_151, %swap3A_152], %swap3A_155 {strides = array<i32>} : memref<512x64xf32, #tpu.memory_space<vmem>>, vector<1x16xf32>,
      %get3A_156 = arith.index_cast %scan3A_143 : i32 to index
      %get3A_157 = arith.constant 16 : index
      %get3A_158 = tpu.vector_load %arg11[%get3A_156, %get3A_157] {strides = array<i32>} : memref<512x64xf32, #tpu.memory_space<vmem>>, vector<1x16xf32>,
      %get3A_159 = vector.shape_cast %get3A_158 : vector<1x16xf32> to vector<16xf32>
      %mul3A_160 = arith.constant 2.500000e-01 : f32
      %mul3A_161 = vector.broadcast %mul3A_160 : f32 to vector<16xf32>
      %mul3A_162 = arith.mulf %get3A_159, %mul3A_161 : vector<16xf32>
      %swap3A_163 = arith.index_cast %scan3A_143 : i32 to index
      %swap3A_164 = arith.constant 16 : index
      %swap3A_165 = tpu.vector_load %arg11[%swap3A_163, %swap3A_164] {strides = array<i32>} : memref<512x64xf32, #tpu.memory_space<vmem>>, vector<1x16xf32>,
      %swap3A_166 = vector.shape_cast %swap3A_165 : vector<1x16xf32> to vector<16xf32>
      %swap3A_167 = vector.shape_cast %mul3A_162 : vector<16xf32> to vector<1x16xf32>
      tpu.vector_store %arg11[%swap3A_163, %swap3A_164], %swap3A_167 {strides = array<i32>} : memref<512x64xf32, #tpu.memory_space<vmem>>, vector<1x16xf32>,
      %get3A_168 = arith.index_cast %scan3A_143 : i32 to index
      %get3A_169 = arith.constant 32 : index
      %get3A_170 = tpu.vector_load %arg11[%get3A_168, %get3A_169] {strides = array<i32>} : memref<512x64xf32, #tpu.memory_space<vmem>>, vector<1x16xf32>,
      %get3A_171 = vector.shape_cast %get3A_170 : vector<1x16xf32> to vector<16xf32>
      %mul3A_172 = arith.constant 2.500000e-01 : f32
      %mul3A_173 = vector.broadcast %mul3A_172 : f32 to vector<16xf32>
      %mul3A_174 = arith.mulf %get3A_171, %mul3A_173 : vector<16xf32>
      %swap3A_175 = arith.index_cast %scan3A_143 : i32 to index
      %swap3A_176 = arith.constant 32 : index
      %swap3A_177 = tpu.vector_load %arg11[%swap3A_175, %swap3A_176] {strides = array<i32>} : memref<512x64xf32, #tpu.memory_space<vmem>>, vector<1x16xf32>,
      %swap3A_178 = vector.shape_cast %swap3A_177 : vector<1x16xf32> to vector<16xf32>
      %swap3A_179 = vector.shape_cast %mul3A_174 : vector<16xf32> to vector<1x16xf32>
      tpu.vector_store %arg11[%swap3A_175, %swap3A_176], %swap3A_179 {strides = array<i32>} : memref<512x64xf32, #tpu.memory_space<vmem>>, vector<1x16xf32>,
      %get3A_180 = arith.index_cast %scan3A_143 : i32 to index
      %get3A_181 = arith.constant 48 : index
      %get3A_182 = tpu.vector_load %arg11[%get3A_180, %get3A_181] {strides = array<i32>} : memref<512x64xf32, #tpu.memory_space<vmem>>, vector<1x16xf32>,
      %get3A_183 = vector.shape_cast %get3A_182 : vector<1x16xf32> to vector<16xf32>
      %mul3A_184 = arith.constant 2.500000e-01 : f32
      %mul3A_185 = vector.broadcast %mul3A_184 : f32 to vector<16xf32>
      %mul3A_186 = arith.mulf %get3A_183, %mul3A_185 : vector<16xf32>
      %swap3A_187 = arith.index_cast %scan3A_143 : i32 to index
      %swap3A_188 = arith.constant 48 : index
      %swap3A_189 = tpu.vector_load %arg11[%swap3A_187, %swap3A_188] {strides = array<i32>} : memref<512x64xf32, #tpu.memory_space<vmem>>, vector<1x16xf32>,
      %swap3A_190 = vector.shape_cast %swap3A_189 : vector<1x16xf32> to vector<16xf32>
      %swap3A_191 = vector.shape_cast %mul3A_186 : vector<16xf32> to vector<1x16xf32>
      tpu.vector_store %arg11[%swap3A_187, %swap3A_188], %swap3A_191 {strides = array<i32>} : memref<512x64xf32, #tpu.memory_space<vmem>>, vector<1x16xf32>,
      %scan3A_192 = arith.constant 0 : i32
      %scan3A_193 = arith.constant 3 : i32
      %scan3A_194 = arith.addi %scan3A_42, %scan3A_193 : i32
      %get3A_195 = arith.index_cast %scan3A_194 : i32 to index
      %get3A_196 = arith.constant 0 : index
      %get3A_197 = tpu.vector_load %arg11[%get3A_195, %get3A_196] {strides = array<i32>} : memref<512x64xf32, #tpu.memory_space<vmem>>, vector<1x16xf32>,
      %get3A_198 = vector.shape_cast %get3A_197 : vector<1x16xf32> to vector<16xf32>
      %mul3A_199 = arith.constant 2.500000e-01 : f32
      %mul3A_200 = vector.broadcast %mul3A_199 : f32 to vector<16xf32>
      %mul3A_201 = arith.mulf %get3A_198, %mul3A_200 : vector<16xf32>
      %swap3A_202 = arith.index_cast %scan3A_194 : i32 to index
      %swap3A_203 = arith.constant 0 : index
      %swap3A_204 = tpu.vector_load %arg11[%swap3A_202, %swap3A_203] {strides = array<i32>} : memref<512x64xf32, #tpu.memory_space<vmem>>, vector<1x16xf32>,
      %swap3A_205 = vector.shape_cast %swap3A_204 : vector<1x16xf32> to vector<16xf32>
      %swap3A_206 = vector.shape_cast %mul3A_201 : vector<16xf32> to vector<1x16xf32>
      tpu.vector_store %arg11[%swap3A_202, %swap3A_203], %swap3A_206 {strides = array<i32>} : memref<512x64xf32, #tpu.memory_space<vmem>>, vector<1x16xf32>,
      %get3A_207 = arith.index_cast %scan3A_194 : i32 to index
      %get3A_208 = arith.constant 16 : index
      %get3A_209 = tpu.vector_load %arg11[%get3A_207, %get3A_208] {strides = array<i32>} : memref<512x64xf32, #tpu.memory_space<vmem>>, vector<1x16xf32>,
      %get3A_210 = vector.shape_cast %get3A_209 : vector<1x16xf32> to vector<16xf32>
      %mul3A_211 = arith.constant 2.500000e-01 : f32
      %mul3A_212 = vector.broadcast %mul3A_211 : f32 to vector<16xf32>
      %mul3A_213 = arith.mulf %get3A_210, %mul3A_212 : vector<16xf32>
      %swap3A_214 = arith.index_cast %scan3A_194 : i32 to index
      %swap3A_215 = arith.constant 16 : index
      %swap3A_216 = tpu.vector_load %arg11[%swap3A_214, %swap3A_215] {strides = array<i32>} : memref<512x64xf32, #tpu.memory_space<vmem>>, vector<1x16xf32>,
      %swap3A_217 = vector.shape_cast %swap3A_216 : vector<1x16xf32> to vector<16xf32>
      %swap3A_218 = vector.shape_cast %mul3A_213 : vector<16xf32> to vector<1x16xf32>
      tpu.vector_store %arg11[%swap3A_214, %swap3A_215], %swap3A_218 {strides = array<i32>} : memref<512x64xf32, #tpu.memory_space<vmem>>, vector<1x16xf32>,
      %get3A_219 = arith.index_cast %scan3A_194 : i32 to index
      %get3A_220 = arith.constant 32 : index
      %get3A_221 = tpu.vector_load %arg11[%get3A_219, %get3A_220] {strides = array<i32>} : memref<512x64xf32, #tpu.memory_space<vmem>>, vector<1x16xf32>,
      %get3A_222 = vector.shape_cast %get3A_221 : vector<1x16xf32> to vector<16xf32>
      %mul3A_223 = arith.constant 2.500000e-01 : f32
      %mul3A_224 = vector.broadcast %mul3A_223 : f32 to vector<16xf32>
      %mul3A_225 = arith.mulf %get3A_222, %mul3A_224 : vector<16xf32>
      %swap3A_226 = arith.index_cast %scan3A_194 : i32 to index
      %swap3A_227 = arith.constant 32 : index
      %swap3A_228 = tpu.vector_load %arg11[%swap3A_226, %swap3A_227] {strides = array<i32>} : memref<512x64xf32, #tpu.memory_space<vmem>>, vector<1x16xf32>,
      %swap3A_229 = vector.shape_cast %swap3A_228 : vector<1x16xf32> to vector<16xf32>
      %swap3A_230 = vector.shape_cast %mul3A_225 : vector<16xf32> to vector<1x16xf32>
      tpu.vector_store %arg11[%swap3A_226, %swap3A_227], %swap3A_230 {strides = array<i32>} : memref<512x64xf32, #tpu.memory_space<vmem>>, vector<1x16xf32>,
      %get3A_231 = arith.index_cast %scan3A_194 : i32 to index
      %get3A_232 = arith.constant 48 : index
      %get3A_233 = tpu.vector_load %arg11[%get3A_231, %get3A_232] {strides = array<i32>} : memref<512x64xf32, #tpu.memory_space<vmem>>, vector<1x16xf32>,
      %get3A_234 = vector.shape_cast %get3A_233 : vector<1x16xf32> to vector<16xf32>
      %mul3A_235 = arith.constant 2.500000e-01 : f32
      %mul3A_236 = vector.broadcast %mul3A_235 : f32 to vector<16xf32>
      %mul3A_237 = arith.mulf %get3A_234, %mul3A_236 : vector<16xf32>
      %swap3A_238 = arith.index_cast %scan3A_194 : i32 to index
      %swap3A_239 = arith.constant 48 : index
      %swap3A_240 = tpu.vector_load %arg11[%swap3A_238, %swap3A_239] {strides = array<i32>} : memref<512x64xf32, #tpu.memory_space<vmem>>, vector<1x16xf32>,
      %swap3A_241 = vector.shape_cast %swap3A_240 : vector<1x16xf32> to vector<16xf32>
      %swap3A_242 = vector.shape_cast %mul3A_237 : vector<16xf32> to vector<1x16xf32>
      tpu.vector_store %arg11[%swap3A_238, %swap3A_239], %swap3A_242 {strides = array<i32>} : memref<512x64xf32, #tpu.memory_space<vmem>>, vector<1x16xf32>,
      %scan3A_243 = arith.constant 0 : i32
      %scan3A_244 = arith.constant 4 : i32
      %scan3A_245 = arith.addi %scan3A_42, %scan3A_244 : i32
      %get3A_246 = arith.index_cast %scan3A_245 : i32 to index
      %get3A_247 = arith.constant 0 : index
      %get3A_248 = tpu.vector_load %arg11[%get3A_246, %get3A_247] {strides = array<i32>} : memref<512x64xf32, #tpu.memory_space<vmem>>, vector<1x16xf32>,
      %get3A_249 = vector.shape_cast %get3A_248 : vector<1x16xf32> to vector<16xf32>
      %mul3A_250 = arith.constant 2.500000e-01 : f32
      %mul3A_251 = vector.broadcast %mul3A_250 : f32 to vector<16xf32>
      %mul3A_252 = arith.mulf %get3A_249, %mul3A_251 : vector<16xf32>
      %swap3A_253 = arith.index_cast %scan3A_245 : i32 to index
      %swap3A_254 = arith.constant 0 : index
      %swap3A_255 = tpu.vector_load %arg11[%swap3A_253, %swap3A_254] {strides = array<i32>} : memref<512x64xf32, #tpu.memory_space<vmem>>, vector<1x16xf32>,
      %swap3A_256 = vector.shape_cast %swap3A_255 : vector<1x16xf32> to vector<16xf32>
      %swap3A_257 = vector.shape_cast %mul3A_252 : vector<16xf32> to vector<1x16xf32>
      tpu.vector_store %arg11[%swap3A_253, %swap3A_254], %swap3A_257 {strides = array<i32>} : memref<512x64xf32, #tpu.memory_space<vmem>>, vector<1x16xf32>,
      %get3A_258 = arith.index_cast %scan3A_245 : i32 to index
      %get3A_259 = arith.constant 16 : index
      %get3A_260 = tpu.vector_load %arg11[%get3A_258, %get3A_259] {strides = array<i32>} : memref<512x64xf32, #tpu.memory_space<vmem>>, vector<1x16xf32>,
      %get3A_261 = vector.shape_cast %get3A_260 : vector<1x16xf32> to vector<16xf32>
      %mul3A_262 = arith.constant 2.500000e-01 : f32
      %mul3A_263 = vector.broadcast %mul3A_262 : f32 to vector<16xf32>
      %mul3A_264 = arith.mulf %get3A_261, %mul3A_263 : vector<16xf32>
      %swap3A_265 = arith.index_cast %scan3A_245 : i32 to index
      %swap3A_266 = arith.constant 16 : index
      %swap3A_267 = tpu.vector_load %arg11[%swap3A_265, %swap3A_266] {strides = array<i32>} : memref<512x64xf32, #tpu.memory_space<vmem>>, vector<1x16xf32>,
      %swap3A_268 = vector.shape_cast %swap3A_267 : vector<1x16xf32> to vector<16xf32>
      %swap3A_269 = vector.shape_cast %mul3A_264 : vector<16xf32> to vector<1x16xf32>
      tpu.vector_store %arg11[%swap3A_265, %swap3A_266], %swap3A_269 {strides = array<i32>} : memref<512x64xf32, #tpu.memory_space<vmem>>, vector<1x16xf32>,
      %get3A_270 = arith.index_cast %scan3A_245 : i32 to index
      %get3A_271 = arith.constant 32 : index
      %get3A_272 = tpu.vector_load %arg11[%get3A_270, %get3A_271] {strides = array<i32>} : memref<512x64xf32, #tpu.memory_space<vmem>>, vector<1x16xf32>,
      %get3A_273 = vector.shape_cast %get3A_272 : vector<1x16xf32> to vector<16xf32>
      %mul3A_274 = arith.constant 2.500000e-01 : f32
      %mul3A_275 = vector.broadcast %mul3A_274 : f32 to vector<16xf32>
      %mul3A_276 = arith.mulf %get3A_273, %mul3A_275 : vector<16xf32>
      %swap3A_277 = arith.index_cast %scan3A_245 : i32 to index
      %swap3A_278 = arith.constant 32 : index
      %swap3A_279 = tpu.vector_load %arg11[%swap3A_277, %swap3A_278] {strides = array<i32>} : memref<512x64xf32, #tpu.memory_space<vmem>>, vector<1x16xf32>,
      %swap3A_280 = vector.shape_cast %swap3A_279 : vector<1x16xf32> to vector<16xf32>
      %swap3A_281 = vector.shape_cast %mul3A_276 : vector<16xf32> to vector<1x16xf32>
      tpu.vector_store %arg11[%swap3A_277, %swap3A_278], %swap3A_281 {strides = array<i32>} : memref<512x64xf32, #tpu.memory_space<vmem>>, vector<1x16xf32>,
      %get3A_282 = arith.index_cast %scan3A_245 : i32 to index
      %get3A_283 = arith.constant 48 : index
      %get3A_284 = tpu.vector_load %arg11[%get3A_282, %get3A_283] {strides = array<i32>} : memref<512x64xf32, #tpu.memory_space<vmem>>, vector<1x16xf32>,
      %get3A_285 = vector.shape_cast %get3A_284 : vector<1x16xf32> to vector<16xf32>
      %mul3A_286 = arith.constant 2.500000e-01 : f32
      %mul3A_287 = vector.broadcast %mul3A_286 : f32 to vector<16xf32>
      %mul3A_288 = arith.mulf %get3A_285, %mul3A_287 : vector<16xf32>
      %swap3A_289 = arith.index_cast %scan3A_245 : i32 to index
      %swap3A_290 = arith.constant 48 : index
      %swap3A_291 = tpu.vector_load %arg11[%swap3A_289, %swap3A_290] {strides = array<i32>} : memref<512x64xf32, #tpu.memory_space<vmem>>, vector<1x16xf32>,
      %swap3A_292 = vector.shape_cast %swap3A_291 : vector<1x16xf32> to vector<16xf32>
      %swap3A_293 = vector.shape_cast %mul3A_288 : vector<16xf32> to vector<1x16xf32>
      tpu.vector_store %arg11[%swap3A_289, %swap3A_290], %swap3A_293 {strides = array<i32>} : memref<512x64xf32, #tpu.memory_space<vmem>>, vector<1x16xf32>,
      %scan3A_294 = arith.constant 0 : i32
      %scan3A_295 = arith.constant 5 : i32
      %scan3A_296 = arith.addi %scan3A_42, %scan3A_295 : i32
      %get3A_297 = arith.index_cast %scan3A_296 : i32 to index
      %get3A_298 = arith.constant 0 : index
      %get3A_299 = tpu.vector_load %arg11[%get3A_297, %get3A_298] {strides = array<i32>} : memref<512x64xf32, #tpu.memory_space<vmem>>, vector<1x16xf32>,
      %get3A_300 = vector.shape_cast %get3A_299 : vector<1x16xf32> to vector<16xf32>
      %mul3A_301 = arith.constant 2.500000e-01 : f32
      %mul3A_302 = vector.broadcast %mul3A_301 : f32 to vector<16xf32>
      %mul3A_303 = arith.mulf %get3A_300, %mul3A_302 : vector<16xf32>
      %swap3A_304 = arith.index_cast %scan3A_296 : i32 to index
      %swap3A_305 = arith.constant 0 : index
      %swap3A_306 = tpu.vector_load %arg11[%swap3A_304, %swap3A_305] {strides = array<i32>} : memref<512x64xf32, #tpu.memory_space<vmem>>, vector<1x16xf32>,
      %swap3A_307 = vector.shape_cast %swap3A_306 : vector<1x16xf32> to vector<16xf32>
      %swap3A_308 = vector.shape_cast %mul3A_303 : vector<16xf32> to vector<1x16xf32>
      tpu.vector_store %arg11[%swap3A_304, %swap3A_305], %swap3A_308 {strides = array<i32>} : memref<512x64xf32, #tpu.memory_space<vmem>>, vector<1x16xf32>,
      %get3A_309 = arith.index_cast %scan3A_296 : i32 to index
      %get3A_310 = arith.constant 16 : index
      %get3A_311 = tpu.vector_load %arg11[%get3A_309, %get3A_310] {strides = array<i32>} : memref<512x64xf32, #tpu.memory_space<vmem>>, vector<1x16xf32>,
      %get3A_312 = vector.shape_cast %get3A_311 : vector<1x16xf32> to vector<16xf32>
      %mul3A_313 = arith.constant 2.500000e-01 : f32
      %mul3A_314 = vector.broadcast %mul3A_313 : f32 to vector<16xf32>
      %mul3A_315 = arith.mulf %get3A_312, %mul3A_314 : vector<16xf32>
      %swap3A_316 = arith.index_cast %scan3A_296 : i32 to index
      %swap3A_317 = arith.constant 16 : index
      %swap3A_318 = tpu.vector_load %arg11[%swap3A_316, %swap3A_317] {strides = array<i32>} : memref<512x64xf32, #tpu.memory_space<vmem>>, vector<1x16xf32>,
      %swap3A_319 = vector.shape_cast %swap3A_318 : vector<1x16xf32> to vector<16xf32>
      %swap3A_320 = vector.shape_cast %mul3A_315 : vector<16xf32> to vector<1x16xf32>
      tpu.vector_store %arg11[%swap3A_316, %swap3A_317], %swap3A_320 {strides = array<i32>} : memref<512x64xf32, #tpu.memory_space<vmem>>, vector<1x16xf32>,
      %get3A_321 = arith.index_cast %scan3A_296 : i32 to index
      %get3A_322 = arith.constant 32 : index
      %get3A_323 = tpu.vector_load %arg11[%get3A_321, %get3A_322] {strides = array<i32>} : memref<512x64xf32, #tpu.memory_space<vmem>>, vector<1x16xf32>,
      %get3A_324 = vector.shape_cast %get3A_323 : vector<1x16xf32> to vector<16xf32>
      %mul3A_325 = arith.constant 2.500000e-01 : f32
      %mul3A_326 = vector.broadcast %mul3A_325 : f32 to vector<16xf32>
      %mul3A_327 = arith.mulf %get3A_324, %mul3A_326 : vector<16xf32>
      %swap3A_328 = arith.index_cast %scan3A_296 : i32 to index
      %swap3A_329 = arith.constant 32 : index
      %swap3A_330 = tpu.vector_load %arg11[%swap3A_328, %swap3A_329] {strides = array<i32>} : memref<512x64xf32, #tpu.memory_space<vmem>>, vector<1x16xf32>,
      %swap3A_331 = vector.shape_cast %swap3A_330 : vector<1x16xf32> to vector<16xf32>
      %swap3A_332 = vector.shape_cast %mul3A_327 : vector<16xf32> to vector<1x16xf32>
      tpu.vector_store %arg11[%swap3A_328, %swap3A_329], %swap3A_332 {strides = array<i32>} : memref<512x64xf32, #tpu.memory_space<vmem>>, vector<1x16xf32>,
      %get3A_333 = arith.index_cast %scan3A_296 : i32 to index
      %get3A_334 = arith.constant 48 : index
      %get3A_335 = tpu.vector_load %arg11[%get3A_333, %get3A_334] {strides = array<i32>} : memref<512x64xf32, #tpu.memory_space<vmem>>, vector<1x16xf32>,
      %get3A_336 = vector.shape_cast %get3A_335 : vector<1x16xf32> to vector<16xf32>
      %mul3A_337 = arith.constant 2.500000e-01 : f32
      %mul3A_338 = vector.broadcast %mul3A_337 : f32 to vector<16xf32>
      %mul3A_339 = arith.mulf %get3A_336, %mul3A_338 : vector<16xf32>
      %swap3A_340 = arith.index_cast %scan3A_296 : i32 to index
      %swap3A_341 = arith.constant 48 : index
      %swap3A_342 = tpu.vector_load %arg11[%swap3A_340, %swap3A_341] {strides = array<i32>} : memref<512x64xf32, #tpu.memory_space<vmem>>, vector<1x16xf32>,
      %swap3A_343 = vector.shape_cast %swap3A_342 : vector<1x16xf32> to vector<16xf32>
      %swap3A_344 = vector.shape_cast %mul3A_339 : vector<16xf32> to vector<1x16xf32>
      tpu.vector_store %arg11[%swap3A_340, %swap3A_341], %swap3A_344 {strides = array<i32>} : memref<512x64xf32, #tpu.memory_space<vmem>>, vector<1x16xf32>,
      %scan3A_345 = arith.constant 0 : i32
      %scan3A_346 = arith.constant 6 : i32
      %scan3A_347 = arith.addi %scan3A_42, %scan3A_346 : i32
      %get3A_348 = arith.index_cast %scan3A_347 : i32 to index
      %get3A_349 = arith.constant 0 : index
      %get3A_350 = tpu.vector_load %arg11[%get3A_348, %get3A_349] {strides = array<i32>} : memref<512x64xf32, #tpu.memory_space<vmem>>, vector<1x16xf32>,
      %get3A_351 = vector.shape_cast %get3A_350 : vector<1x16xf32> to vector<16xf32>
      %mul3A_352 = arith.constant 2.500000e-01 : f32
      %mul3A_353 = vector.broadcast %mul3A_352 : f32 to vector<16xf32>
      %mul3A_354 = arith.mulf %get3A_351, %mul3A_353 : vector<16xf32>
      %swap3A_355 = arith.index_cast %scan3A_347 : i32 to index
      %swap3A_356 = arith.constant 0 : index
      %swap3A_357 = tpu.vector_load %arg11[%swap3A_355, %swap3A_356] {strides = array<i32>} : memref<512x64xf32, #tpu.memory_space<vmem>>, vector<1x16xf32>,
      %swap3A_358 = vector.shape_cast %swap3A_357 : vector<1x16xf32> to vector<16xf32>
      %swap3A_359 = vector.shape_cast %mul3A_354 : vector<16xf32> to vector<1x16xf32>
      tpu.vector_store %arg11[%swap3A_355, %swap3A_356], %swap3A_359 {strides = array<i32>} : memref<512x64xf32, #tpu.memory_space<vmem>>, vector<1x16xf32>,
      %get3A_360 = arith.index_cast %scan3A_347 : i32 to index
      %get3A_361 = arith.constant 16 : index
      %get3A_362 = tpu.vector_load %arg11[%get3A_360, %get3A_361] {strides = array<i32>} : memref<512x64xf32, #tpu.memory_space<vmem>>, vector<1x16xf32>,
      %get3A_363 = vector.shape_cast %get3A_362 : vector<1x16xf32> to vector<16xf32>
      %mul3A_364 = arith.constant 2.500000e-01 : f32
      %mul3A_365 = vector.broadcast %mul3A_364 : f32 to vector<16xf32>
      %mul3A_366 = arith.mulf %get3A_363, %mul3A_365 : vector<16xf32>
      %swap3A_367 = arith.index_cast %scan3A_347 : i32 to index
      %swap3A_368 = arith.constant 16 : index
      %swap3A_369 = tpu.vector_load %arg11[%swap3A_367, %swap3A_368] {strides = array<i32>} : memref<512x64xf32, #tpu.memory_space<vmem>>, vector<1x16xf32>,
      %swap3A_370 = vector.shape_cast %swap3A_369 : vector<1x16xf32> to vector<16xf32>
      %swap3A_371 = vector.shape_cast %mul3A_366 : vector<16xf32> to vector<1x16xf32>
      tpu.vector_store %arg11[%swap3A_367, %swap3A_368], %swap3A_371 {strides = array<i32>} : memref<512x64xf32, #tpu.memory_space<vmem>>, vector<1x16xf32>,
      %get3A_372 = arith.index_cast %scan3A_347 : i32 to index
      %get3A_373 = arith.constant 32 : index
      %get3A_374 = tpu.vector_load %arg11[%get3A_372, %get3A_373] {strides = array<i32>} : memref<512x64xf32, #tpu.memory_space<vmem>>, vector<1x16xf32>,
      %get3A_375 = vector.shape_cast %get3A_374 : vector<1x16xf32> to vector<16xf32>
      %mul3A_376 = arith.constant 2.500000e-01 : f32
      %mul3A_377 = vector.broadcast %mul3A_376 : f32 to vector<16xf32>
      %mul3A_378 = arith.mulf %get3A_375, %mul3A_377 : vector<16xf32>
      %swap3A_379 = arith.index_cast %scan3A_347 : i32 to index
      %swap3A_380 = arith.constant 32 : index
      %swap3A_381 = tpu.vector_load %arg11[%swap3A_379, %swap3A_380] {strides = array<i32>} : memref<512x64xf32, #tpu.memory_space<vmem>>, vector<1x16xf32>,
      %swap3A_382 = vector.shape_cast %swap3A_381 : vector<1x16xf32> to vector<16xf32>
      %swap3A_383 = vector.shape_cast %mul3A_378 : vector<16xf32> to vector<1x16xf32>
      tpu.vector_store %arg11[%swap3A_379, %swap3A_380], %swap3A_383 {strides = array<i32>} : memref<512x64xf32, #tpu.memory_space<vmem>>, vector<1x16xf32>,
      %get3A_384 = arith.index_cast %scan3A_347 : i32 to index
      %get3A_385 = arith.constant 48 : index
      %get3A_386 = tpu.vector_load %arg11[%get3A_384, %get3A_385] {strides = array<i32>} : memref<512x64xf32, #tpu.memory_space<vmem>>, vector<1x16xf32>,
      %get3A_387 = vector.shape_cast %get3A_386 : vector<1x16xf32> to vector<16xf32>
      %mul3A_388 = arith.constant 2.500000e-01 : f32
      %mul3A_389 = vector.broadcast %mul3A_388 : f32 to vector<16xf32>
      %mul3A_390 = arith.mulf %get3A_387, %mul3A_389 : vector<16xf32>
      %swap3A_391 = arith.index_cast %scan3A_347 : i32 to index
      %swap3A_392 = arith.constant 48 : index
      %swap3A_393 = tpu.vector_load %arg11[%swap3A_391, %swap3A_392] {strides = array<i32>} : memref<512x64xf32, #tpu.memory_space<vmem>>, vector<1x16xf32>,
      %swap3A_394 = vector.shape_cast %swap3A_393 : vector<1x16xf32> to vector<16xf32>
      %swap3A_395 = vector.shape_cast %mul3A_390 : vector<16xf32> to vector<1x16xf32>
      tpu.vector_store %arg11[%swap3A_391, %swap3A_392], %swap3A_395 {strides = array<i32>} : memref<512x64xf32, #tpu.memory_space<vmem>>, vector<1x16xf32>,
      %scan3A_396 = arith.constant 0 : i32
      %scan3A_397 = arith.constant 7 : i32
      %scan3A_398 = arith.addi %scan3A_42, %scan3A_397 : i32
      %get3A_399 = arith.index_cast %scan3A_398 : i32 to index
      %get3A_400 = arith.constant 0 : index
      %get3A_401 = tpu.vector_load %arg11[%get3A_399, %get3A_400] {strides = array<i32>} : memref<512x64xf32, #tpu.memory_space<vmem>>, vector<1x16xf32>,
      %get3A_402 = vector.shape_cast %get3A_401 : vector<1x16xf32> to vector<16xf32>
      %mul3A_403 = arith.constant 2.500000e-01 : f32
      %mul3A_404 = vector.broadcast %mul3A_403 : f32 to vector<16xf32>
      %mul3A_405 = arith.mulf %get3A_402, %mul3A_404 : vector<16xf32>
      %swap3A_406 = arith.index_cast %scan3A_398 : i32 to index
      %swap3A_407 = arith.constant 0 : index
      %swap3A_408 = tpu.vector_load %arg11[%swap3A_406, %swap3A_407] {strides = array<i32>} : memref<512x64xf32, #tpu.memory_space<vmem>>, vector<1x16xf32>,
      %swap3A_409 = vector.shape_cast %swap3A_408 : vector<1x16xf32> to vector<16xf32>
      %swap3A_410 = vector.shape_cast %mul3A_405 : vector<16xf32> to vector<1x16xf32>
      tpu.vector_store %arg11[%swap3A_406, %swap3A_407], %swap3A_410 {strides = array<i32>} : memref<512x64xf32, #tpu.memory_space<vmem>>, vector<1x16xf32>,
      %get3A_411 = arith.index_cast %scan3A_398 : i32 to index
      %get3A_412 = arith.constant 16 : index
      %get3A_413 = tpu.vector_load %arg11[%get3A_411, %get3A_412] {strides = array<i32>} : memref<512x64xf32, #tpu.memory_space<vmem>>, vector<1x16xf32>,
      %get3A_414 = vector.shape_cast %get3A_413 : vector<1x16xf32> to vector<16xf32>
      %mul3A_415 = arith.constant 2.500000e-01 : f32
      %mul3A_416 = vector.broadcast %mul3A_415 : f32 to vector<16xf32>
      %mul3A_417 = arith.mulf %get3A_414, %mul3A_416 : vector<16xf32>
      %swap3A_418 = arith.index_cast %scan3A_398 : i32 to index
      %swap3A_419 = arith.constant 16 : index
      %swap3A_420 = tpu.vector_load %arg11[%swap3A_418, %swap3A_419] {strides = array<i32>} : memref<512x64xf32, #tpu.memory_space<vmem>>, vector<1x16xf32>,
      %swap3A_421 = vector.shape_cast %swap3A_420 : vector<1x16xf32> to vector<16xf32>
      %swap3A_422 = vector.shape_cast %mul3A_417 : vector<16xf32> to vector<1x16xf32>
      tpu.vector_store %arg11[%swap3A_418, %swap3A_419], %swap3A_422 {strides = array<i32>} : memref<512x64xf32, #tpu.memory_space<vmem>>, vector<1x16xf32>,
      %get3A_423 = arith.index_cast %scan3A_398 : i32 to index
      %get3A_424 = arith.constant 32 : index
      %get3A_425 = tpu.vector_load %arg11[%get3A_423, %get3A_424] {strides = array<i32>} : memref<512x64xf32, #tpu.memory_space<vmem>>, vector<1x16xf32>,
      %get3A_426 = vector.shape_cast %get3A_425 : vector<1x16xf32> to vector<16xf32>
      %mul3A_427 = arith.constant 2.500000e-01 : f32
      %mul3A_428 = vector.broadcast %mul3A_427 : f32 to vector<16xf32>
      %mul3A_429 = arith.mulf %get3A_426, %mul3A_428 : vector<16xf32>
      %swap3A_430 = arith.index_cast %scan3A_398 : i32 to index
      %swap3A_431 = arith.constant 32 : index
      %swap3A_432 = tpu.vector_load %arg11[%swap3A_430, %swap3A_431] {strides = array<i32>} : memref<512x64xf32, #tpu.memory_space<vmem>>, vector<1x16xf32>,
      %swap3A_433 = vector.shape_cast %swap3A_432 : vector<1x16xf32> to vector<16xf32>
      %swap3A_434 = vector.shape_cast %mul3A_429 : vector<16xf32> to vector<1x16xf32>
      tpu.vector_store %arg11[%swap3A_430, %swap3A_431], %swap3A_434 {strides = array<i32>} : memref<512x64xf32, #tpu.memory_space<vmem>>, vector<1x16xf32>,
      %get3A_435 = arith.index_cast %scan3A_398 : i32 to index
      %get3A_436 = arith.constant 48 : index
      %get3A_437 = tpu.vector_load %arg11[%get3A_435, %get3A_436] {strides = array<i32>} : memref<512x64xf32, #tpu.memory_space<vmem>>, vector<1x16xf32>,
      %get3A_438 = vector.shape_cast %get3A_437 : vector<1x16xf32> to vector<16xf32>
      %mul3A_439 = arith.constant 2.500000e-01 : f32
      %mul3A_440 = vector.broadcast %mul3A_439 : f32 to vector<16xf32>
      %mul3A_441 = arith.mulf %get3A_438, %mul3A_440 : vector<16xf32>
      %swap3A_442 = arith.index_cast %scan3A_398 : i32 to index
      %swap3A_443 = arith.constant 48 : index
      %swap3A_444 = tpu.vector_load %arg11[%swap3A_442, %swap3A_443] {strides = array<i32>} : memref<512x64xf32, #tpu.memory_space<vmem>>, vector<1x16xf32>,
      %swap3A_445 = vector.shape_cast %swap3A_444 : vector<1x16xf32> to vector<16xf32>
      %swap3A_446 = vector.shape_cast %mul3A_441 : vector<16xf32> to vector<1x16xf32>
      tpu.vector_store %arg11[%swap3A_442, %swap3A_443], %swap3A_446 {strides = array<i32>} : memref<512x64xf32, #tpu.memory_space<vmem>>, vector<1x16xf32>,
      %scan3A_447 = arith.constant 0 : i32
      scf.yield %scan3A_447 : i32
    }
    %scan3A_29 = arith.constant 512 : i32
    %dma_start3A_30 = arith.constant 0 : i32
    %dma_start3A_31 = tpu.memref_slice %arg7[%mul3A_2, %dma_start3A_30] : memref<16384x64xf32, #tpu.memory_space<hbm>> -> memref<512x64xf32, #tpu.memory_space<hbm>>
    %dma_start3A_32 = arith.constant 0 : i32
    %dma_start3A_33 = tpu.memref_slice %arg7[%mul3A_2, %dma_start3A_32] : memref<16384x64xf32, #tpu.memory_space<hbm>> -> memref<512x64xf32, #tpu.memory_space<hbm>>
    tpu.enqueue_dma source(%arg11 : memref<512x64xf32, #tpu.memory_space<vmem>>) target(%dma_start3A_33 : memref<512x64xf32, #tpu.memory_space<hbm>>) target_semaphore(%arg14 : memref<!tpu.dma_semaphore, #tpu.memory_space<semaphore_mem>>)
    %dma_wait3A_34 = arith.constant 0 : i32
    %dma_wait3A_35 = tpu.memref_slice %arg6[%mul3A_2, %dma_wait3A_34] : memref<16384x64xf32, #tpu.memory_space<hbm>> -> memref<512x64xf32, #tpu.memory_space<hbm>>
    %dma_wait3A_36 = arith.constant 0 : i32
    %dma_wait3A_37 = tpu.memref_slice %arg6[%mul3A_2, %dma_wait3A_36] : memref<16384x64xf32, #tpu.memory_space<hbm>> -> memref<512x64xf32, #tpu.memory_space<hbm>>
    tpu.wait_dma2 semaphore(%arg14 : memref<!tpu.dma_semaphore, #tpu.memory_space<semaphore_mem>>) src(%arg10 : memref<512x64xf32, #tpu.memory_space<vmem>>) dst(%dma_wait3A_37 : memref<512x64xf32, #tpu.memory_space<hbm>>)
    %dma_wait3A_38 = arith.constant 0 : i32
    %dma_wait3A_39 = tpu.memref_slice %arg7[%mul3A_2, %dma_wait3A_38] : memref<16384x64xf32, #tpu.memory_space<hbm>> -> memref<512x64xf32, #tpu.memory_space<hbm>>
    %dma_wait3A_40 = arith.constant 0 : i32
    %dma_wait3A_41 = tpu.memref_slice %arg7[%mul3A_2, %dma_wait3A_40] : memref<16384x64xf32, #tpu.memory_space<hbm>> -> memref<512x64xf32, #tpu.memory_space<hbm>>
    tpu.wait_dma2 semaphore(%arg14 : memref<!tpu.dma_semaphore, #tpu.memory_space<semaphore_mem>>) src(%arg11 : memref<512x64xf32, #tpu.memory_space<vmem>>) dst(%dma_wait3A_41 : memref<512x64xf32, #tpu.memory_space<hbm>>)
    return
  }
}

</mosaic_0001>

<sc_bundles>
// kernel: kernel.3.cloned.1.call-start
scs
__scs_entry_jumppad:
0x0: {  	(pc) =	sbr.rel $0x88, $3  }
0x1: {  	(tag) =	ssettag $0x0;
	lr =	simm.s32 $0x1  }
0x2: {  	[smem:$0x3F9D] =	sst lr;
	_ =	strace $0xD0000000  }
0x3: {  	_ = 	snop  }
0x4: {  	_ = 	snop  }
0x5: {  	_ = 	snop  }
0x6: {  	_ = 	snop  }
0x7: {  	_ = 	snop  }
__scs_overlays_trampoline_lowered:
0x8: {  	[smem:$0x3FAC] =	sst s0  }
0x9: {  	[smem:$0x3FAD] =	sst s1  }
0xa: {  	[smem:$0x3FAE] =	sst s2  }
0xb: {  	[smem:$0x3FAF] =	sst s3  }
0xc: {  	[smem:$0x3FB0] =	sst s4  }
0xd: {  	[smem:$0x3FB1] =	sst s5  }
0xe: {  	[smem:$0x3FB2] =	sst s6  }
0xf: {  	[smem:$0x3FB3] =	sst s7  }
0x10: {  	[smem:$0x3FB4] =	sst s8  }
0x11: {  	[smem:$0x3FB5] =	sst s9;
	s0 =	simm.s32 @!p0 $0x0  }
0x12: {  	s1 =	sld [smem:$0x3F9B];
	s0 =	simm.s32 @p0 $0x1  }
0x13: {  	[smem:$0x3FB6] =	sst s0;
	s0 =	simm.s32 @!p1 $0x0  }
0x14: {  	s2 =	sld [smem:$0x3F9A];
	s0 =	simm.s32 @p1 $0x1  }
0x15: {  	[smem:$0x3FB7] =	sst s0;
	s0 =	simm.s32 @!p2 $0x0  }
0x16: {  	s3 =	sld [smem:$0x3FDB];
	s0 =	simm.s32 @p2 $0x1  }
0x17: {  	s4 =	simm.s32 $0x1BF5;
	[smem:$0x3FB9] =	sst s0  }
0x18: {  	s0 =	sld [smem:$0x3F9C];
	_ =	swait.ge [sflag:s4], $0x0  }
0x19: {  	s7 =	sld [smem:$0x3F9D]  }
0x1a: {  	s8 =	sadd.s32 $0xFFFFE003, lr  }
0x1b: {  	s9 =	sadd.s32 $0xFFFFFEF7, lr;
	s5 =	simm.s32 $0xFFFFFFFF;
	p2 =	slt.u32 s8, $0xFFFFF086  }
0x1c: {  	p1 =	slt.u32 s9, $0xF7A;
	s5 =	simm.s32 @!p2 $0x0  }
0x1d: {  	s5 =	simm.s32 @p1 $0x1;
	p0 =	seq.s32 s7, s2  }
0x1e: {  	s7 =	smul.u32 @!p0 $0xF7A, s2;
	p2 =	seq.s32 @!p0 s5, $0x0  }
0x1f: {  	s9 =	smul.u32 $0xF7A, s1;
	s8 =	simm.s32 @!p0 $0x1BF5;
	p2 =	por !p2, p0  }
0x20: {  	[sflag:s8] =	ssyncset.s32 @!p0 $0xFFFFF086;
	s6 =	sadd.s32 @!p0 s3, s7;
	s7 =	simm.s32 @!p0 $0x108  }
0x21: {  	s3 =	sadd.s32 s3, s9;
	s6 =	sadd.s32 @!p0 $0x88, s6;
	s7 =	simm.s32 @p2 $0x1082  }
0x22: {  	[simem:s7], [sflag:s8] =	dma.local @!p0 [hbm:s6], $0xF7A  }
0x23: {  	s9 =	sor.u32 $0xD0000000, s2;
	s6 =	simm.s32 $0x108;
	_ =	swait.ge @!p0 [sflag:s8], $0x0  }
0x24: {  	s3 =	sadd.s32 $0x88, s3;
	s6 =	simm.s32 @!p1 $0x1082;
	[sflag:s4] =	ssyncset.s32 $0xFFFFF086  }
0x25: {  	[simem:s6], [sflag:s4] =	dma.local [hbm:s3], $0xF7A  }
0x26: {  	[smem:$0x3F9D] =	sst s1;
	(tag) =	ssettag s2;
	_ =	strace s9  }
0x27: {  	s1 =	sld [smem:$0x3FAD]  }
0x28: {  	s2 =	sld [smem:$0x3FAE]  }
0x29: {  	s4 =	sld [smem:$0x3FB0]  }
0x2a: {  	p0 =	seq.s32 s5, $0x0;
	s5 =	sld [smem:$0x3FB1]  }
0x2b: {  	s6 =	sld [smem:$0x3FB2]  }
0x2c: {  	s7 =	sld [smem:$0x3FB3]  }
0x2d: {  	s3 =	simm.s32 $0x108;
	s8 =	sld [smem:$0x3FB4]  }
0x2e: {  	s3 =	simm.s32 @!p0 $0x1082;
	s9 =	sld [smem:$0x3FB5]  }
0x2f: {  	lr =	sadd.s32 s0, s3;
	s0 =	sld [smem:$0x3FAC]  }
0x30: {  	s3 =	sld [smem:$0x3FAF]  }
0x31: {  	[smem:$0x3FB8] =	sst s10  }
0x32: {  	s10 =	sld [smem:$0x3FB6];
	_ =	sdelay $0x3  }
0x33: {  	p0 =	seq.s32 s10, $0x1;
	s10 =	sld [smem:$0x3FB8];
	_ =	sdelay $0x3  }
0x34: {  	[smem:$0x3FB8] =	sst s10  }
0x35: {  	s10 =	sld [smem:$0x3FB7];
	_ =	sdelay $0x3  }
0x36: {  	p1 =	seq.s32 s10, $0x1;
	s10 =	sld [smem:$0x3FB8];
	_ =	sdelay $0x3  }
0x37: {  	[smem:$0x3FB8] =	sst s10  }
0x38: {  	s10 =	sld [smem:$0x3FB9]  }
0x39: {  	_ = 	snop;
	(pc) =	sbr.ind lr, $3  }
0x3a: {  	_ = 	snop  }
0x3b: {  	_ = 	snop  }
0x3c: {  	p2 =	seq.s32 s10, $0x1;
	s10 =	sld [smem:$0x3FB8]  }
0x3d: {  	_ =	shalt  }
0x3e: {  	_ =	shalt  }
0x3f: {  	_ =	shalt  }
0x40: {  	_ =	shalt  }
0x41: {  	_ =	shalt  }
0x42: {  	_ =	shalt  }
0x43: {  	_ =	shalt  }
0x44: {  	_ =	shalt  }
0x45: {  	_ =	shalt  }
0x46: {  	_ =	shalt  }
0x47: {  	_ =	shalt  }
0x48: {  	_ =	shalt  }
0x49: {  	_ =	shalt  }
0x4a: {  	_ =	shalt  }
0x4b: {  	_ =	shalt  }
0x4c: {  	_ =	shalt  }
0x4d: {  	_ =	shalt  }
0x4e: {  	_ =	shalt  }
0x4f: {  	_ =	shalt  }
0x50: {  	_ =	shalt  }
0x51: {  	_ =	shalt  }
0x52: {  	_ =	shalt  }
0x53: {  	_ =	shalt  }
0x54: {  	_ =	shalt  }
0x55: {  	_ =	shalt  }
0x56: {  	_ =	shalt  }
0x57: {  	_ =	shalt  }
0x58: {  	_ =	shalt  }
0x59: {  	_ =	shalt  }
0x5a: {  	_ =	shalt  }
0x5b: {  	_ =	shalt  }
0x5c: {  	_ =	shalt  }
0x5d: {  	_ =	shalt  }
0x5e: {  	_ =	shalt  }
0x5f: {  	_ =	shalt  }
0x60: {  	_ =	shalt  }
0x61: {  	_ =	shalt  }
0x62: {  	_ =	shalt  }
0x63: {  	_ =	shalt  }
0x64: {  	_ =	shalt  }
0x65: {  	_ =	shalt  }
0x66: {  	_ =	shalt  }
0x67: {  	_ =	shalt  }
0x68: {  	_ =	shalt  }
0x69: {  	_ =	shalt  }
0x6a: {  	_ =	shalt  }
0x6b: {  	_ =	shalt  }
0x6c: {  	_ =	shalt  }
0x6d: {  	_ =	shalt  }
0x6e: {  	_ =	shalt  }
0x6f: {  	_ =	shalt  }
0x70: {  	_ =	shalt  }
0x71: {  	_ =	shalt  }
0x72: {  	_ =	shalt  }
0x73: {  	_ =	shalt  }
0x74: {  	_ =	shalt  }
0x75: {  	_ =	shalt  }
0x76: {  	_ =	shalt  }
0x77: {  	_ =	shalt  }
0x78: {  	_ =	shalt  }
0x79: {  	_ =	shalt  }
0x7a: {  	_ =	shalt  }
0x7b: {  	_ =	shalt  }
0x7c: {  	_ =	shalt  }
0x7d: {  	_ =	shalt  }
0x7e: {  	_ =	shalt  }
0x7f: {  	_ =	shalt  }
0x80: {  	_ =	shalt  }
0x81: {  	_ =	shalt  }
0x82: {  	_ =	shalt  }
0x83: {  	_ =	shalt  }
0x84: {  	_ =	shalt  }
0x85: {  	_ =	shalt  }
0x86: {  	_ =	shalt  }
0x87: {  	_ =	shalt  }
.Lfunc_end0:
.L_simem_size_0:
called_computation_lowered:
.L_overlay_start_0:
0x88: {  	s2 =	sld [smem:$0x3FD9]  }
0x89: {  	s3 =	sld [smem:$0x3FFE];
	_ =	sdelay $0x1  }
0x8a: {  	s1 =	srdreg.scid  }
0x8b: {  	s0 =	sand.u32 $0x1, s1  }
0x8c: {  	s14 =	sshll.u32 s0, $0xA;
	s2 =	sadd.s32 s3, s2  }
0x8d: {  	s2 =	sadd.s32 s2, s14  }
0x8e: {  	[smem:$0x3FC4] =	sst s2  }
0x8f: {  	_ = 	snop  }
0x90: {  	s2 =	sld [smem:$0x3FD0];
	_ =	sdelay $0x1  }
0x91: {  	s15 =	sld [smem:$0x3FC9]  }
0x92: {  	s5 =	simm.s32 $0xA;
	s6 =	simm.s32 $0x10;
	s4 =	sld [smem:$0x3FC8]  }
0x93: {  	[smem:s6], [sflag:s5] =	dma.local [hbm:s2], $0x1  }
0x94: {  	_ =	swait.eq [sflag:s5], $0x1  }
0x95: {  	[sflag:s5] =	ssyncset.done $0x0  }
0x96: {  	s16 =	sld [smem:$0x10];
	[sflag:s5] =	ssyncadd.s32 $0xFFFFFFFF  }
0x97: {  	s17 =	sld [smem:$0x11];
	(tm) =	ssettm $0x1  }
0x98: {  	s18 =	sld [smem:$0x3FFB];
	_ =	sdelay $0x3  }
0x99: {  	_ =	strace s18  }
0x9a: {  	s6 =	sld [smem:$0x3FFC];
	_ =	sdelay $0x3  }
0x9b: {  	_ =	strace s6  }
0x9c: {  	s6 =	sld [smem:$0x3FFD];
	_ =	sdelay $0x3  }
0x9d: {  	_ =	strace s6  }
0x9e: {  	_ =	strace $0x8FFFFFFF  }
0x9f: {  	s19 =	sld [smem:$0x3FDB];
	_ =	sdelay $0x1  }
0xa0: {  	s7 =	simm.s32 $_scs_section_size  }
0xa1: {  	s8 =	simm.s32 $_size__tile_overlayer_lowered;
	s9 =	simm.s32 $_tile_overlayer_lowered  }
0xa2: {  	s22 =	simm.s32 $0x1BFF;
	s21 =	sshll.u32 s9, $0x1;
	s6 =	sadd.s32 s7, s19  }
0xa3: {  	s10 =	simm.s32 $0x0;
	s20 =	sshll.u32 s8, $0x1;
	s8 =	sadd.s32 s21, s6  }
0xa4: {  	[timem:s10], [sflag:s22] =	dma.local [hbm:s8], s20  }
0xa5: {  	_ =	swait.ge [sflag:s22], s20  }
0xa6: {  	s7 =	ssub.s32 $0x0, s20;
	[sflag:s22] =	ssyncset.done $0x0  }
0xa7: {  	[sflag:s22] =	ssyncadd.s32 s7;
	_ =	sdelay $0x1  }
0xa8: {  	s23 =	simm.s32 $0x1B8B  }
0xa9: {  	_ =	swait.ge [sflag:s23], $0x1  }
0xaa: {  	[sflag:s23] =	ssyncset.done $0x0  }
0xab: {  	s25 =	simm.s32 $0x1B8E;
	s24 =	sld [smem:$0x3FFE];
	[sflag:s23] =	ssyncadd.s32 $0xFFFFFFFF  }
0xac: {  	s26 =	simm.s32 $execute0_lowered;
	[smem:$0x3FD2] =	sst s25  }
0xad: {  	s8 =	sshll.u32 s26, $0x1;
	_ =	strace $0x80000046;
	[dreg:$0x1] =	wrdreg $0xFFFFFFFF  }
0xae: {  	s28 =	simm.s32 $_size_execute0_lowered;
	s6 =	sadd.s32 s6, s8;
	[dreg:$0x0] =	wrdreg $0x0  }
0xaf: {  	s8 =	sshll.u32 s28, $0x1;
	[dreg:$0x2] =	wrdreg s6  }
0xb0: {  	[dreg:$0x3] =	wrdreg s8  }
0xb1: {  	[dreg:$0x4] =	wrdreg $0xC0  }
0xb2: {  	_ =	task [dreg:s10], $0x5FFFF  }
0xb3: {  	[dreg:$0x1] =	wrdreg $0xFFFFFFFF  }
0xb4: {  	[dreg:$0x0] =	wrdreg $0x60  }
0xb5: {  	[dreg:$0x2] =	wrdreg s15  }
0xb6: {  	[dreg:$0x3] =	wrdreg s4  }
0xb7: {  	[dreg:$0x4] =	wrdreg s24  }
0xb8: {  	[dreg:$0x5] =	wrdreg s16  }
0xb9: {  	[dreg:$0x6] =	wrdreg s17  }
0xba: {  	[dreg:$0x7] =	wrdreg $0x9  }
0xbb: {  	_ =	task.clear_ibuf [dreg:s10], $0x8FFFF;
	_ =	strace $0x90000046  }
0xbc: {  	s29 =	simm.s32 $0x9;
	_ =	strace $0x80000048  }
0xbd: {  	_ =	swait.ge [sflag:s29], $0x1  }
0xbe: {  	[sflag:s29] =	ssyncadd.s32 $0xFFFFFFFF  }
0xbf: {  	_ =	strace $0x90000048  }
0xc0: {  	_ =	sfence  }
0xc1: {  	s30 =	sld [smem:$0x0];
	_ =	sdelay $0x2  }
0xc2: {  	s31 =	sshll.u32 s1, $0xD;
	s1 =	sshrl.u32 s1, $0x2  }
0xc3: {  	s3 =	sand.u32 $0x4000, s31;
	s1 =	sadd.s32 s1, s30  }
0xc4: {  	s0 =	sor.u32 s3, s0;
	s1 =	sshll.u32 s1, $0x11  }
0xc5: {  	s0 =	sor.u32 s1, s0  }
0xc6: {  	s0 =	sadd.s32 $0x8F2B, s0  }
0xc7: {  	[sflag:s0] =	ssyncadd.remote.s32 $0x1  }
0xc8: {  	_ =	sfence.sel $0xFFFF  }
0xc9: {  	[dreg:$0x0] =	wrdreg $0xFFFFFFFF;
	(pc) =	sbr.abs _section_cstart, $3  }
0xca: {  	[dreg:$0x1] =	wrdreg $0xFFFFFFFF  }
0xcb: {  	_ =	task.clear_ibuf [dreg:s10], $0x2FFFF;
	_ =	strace $0x9FFFFFFF  }
0xcc: {  	(tm) =	ssettm $0x7FFFFFFF  }
0xcd: {  	_ =	shalt  }
tec
execute0_lowered:
.L_overlay_start_1:
0x0: {  	(tag) =	ssettag $0x1  }
0x1: {  	s5 =	rddreg [dreg:$0x0]  }
0x2: {  	s6 =	rddreg [dreg:$0x1]  }
0x3: {  	s4 =	rddreg [dreg:$0x2]  }
0x4: {  	s7 =	rddreg [dreg:$0x3]  }
0x5: {  	s8 =	rddreg [dreg:$0x4]  }
0x6: {  	s0 =	rddreg [dreg:$0x5];
	s2 =	simm.s32 $0x0;
	s3 =	srdreg.scid  }
0x7: {  	s1 =	stileid.u32;
	s13 =	simm.s32 $0x8400;
	s14 =	simm.s32 $0x1  }
0x8: {  	s15 =	simm.s32 $0x2;
	s16 =	simm.s32 $0x3;
	s17 =	simm.s32 $0x0  }
0x9: {  	[smem:$0x7FF] =	sst s2;
	s9 =	sand.u32 $0x1, s3;
	s10 =	sshll.u32 s1, $0xA  }
0xa: {  	s3 =	sadd.s32 $0x189000, s4;
	s4 =	sadd.s32 $0x24C600, s4;
	s11 =	sshll.u32 s9, $0x9  }
0xb: {  	_ =	strace $0x80000047;
	s9 =	ssub.s32 $0x2, s9;
	s10 =	sor.u32 s11, s10  }
0xc: {  	s31 =	sshrl.u32 s9, $0x1;
	s11 =	simm.s32 $0x200;
	s12 =	sshrl.u32 s10, $0x3  }
0xd: {  	s9 =	ssub.s32 s9, s31;
	s10 =	sshll.u32 s10, $0x3;
	s5 =	sadd.s32 s5, s12  }
0xe: {  	s6 =	sadd.s32 s6, s12;
	s7 =	sadd.s32 s7, s10;
	s8 =	sadd.s32 s8, s10  }
0xf: {  	s9 =	smax.u32 s9, $0x1;
	s10 =	simm.s32 $0x4;
	s12 =	simm.s32 $0x400  }
.LBB2_1:
0x10: {  	[tilespmem:s2], [sflag:$0x4] =	stream.linear.gather [hbm4b:s5+s2], $0x200, $0x38;
	[tilespmem:$0x10400] =	vst v63  }
0x11: {  	_ =	swait.ge [sflag:s10], $0x200  }
0x12: {  	[sflag:s10] =	ssyncset.done $0x0  }
0x13: {  	[sflag:s10] =	ssyncadd.s32 $0xFFFFFE00  }
0x14: {  	[tilespmem:s11], [sflag:$0x4] =	stream.linear.gather [hbm4b:s6+s2], $0x200, $0x38;
	[tilespmem:$0x10400] =	vst v63  }
0x15: {  	_ =	swait.ge [sflag:s10], $0x200  }
0x16: {  	[sflag:s10] =	ssyncset.done $0x0  }
0x17: {  	[sflag:s10] =	ssyncadd.s32 $0xFFFFFE00  }
0x18: {  	[tilespmem:s12], [sflag:$0x1] =	stream.indirect.gather [hbm4b:s3+s11], $0x40, s2, s11, $0xb8;
	[tilespmem:$0x10400] =	vst v63  }
0x19: {  	_ = 	snop  }
0x1a: {  	[tilespmem:s13], [sflag:$0x2] =	stream.indirect.gather [hbm4b:s4+s11], $0x40, s11, s11, $0xb8;
	[tilespmem:$0x10400] =	vst v63  }
0x1b: {  	_ =	swait.ge [sflag:s14], $0x8000  }
0x1c: {  	[sflag:s14] =	ssyncset.done $0x0  }
0x1d: {  	s18 =	simm.s32 $0x500;
	[sflag:s14] =	ssyncadd.s32 $0xFFFF8000  }
0x1e: {  	v0 =	vld [tilespmem:s18+$0xFFFFFF00]  }
0x1f: {  	v1 =	vld [tilespmem:s18+$0xFFFFFF10]  }
0x20: {  	v2 =	vld [tilespmem:s18+$0xFFFFFF20]  }
0x21: {  	v3 =	vld [tilespmem:s18+$0xFFFFFF30]  }
0x22: {  	v4 =	vld [tilespmem:s18+$0xFFFFFF40]  }
0x23: {  	v5 =	vld [tilespmem:s18+$0xFFFFFF50];
	v0 =	vmul.f32 $2.500000000e-01, v0  }
0x24: {  	v6 =	vld [tilespmem:s18+$0xFFFFFF60];
	v1 =	vmul.f32 $2.500000000e-01, v1  }
0x25: {  	[tilespmem:s18+$0xFFFFFF00] =	vst v0;
	v0 =	vmul.f32 $2.500000000e-01, v2;
	v2 =	vld [tilespmem:s18+$0xFFFFFF70]  }
0x26: {  	[tilespmem:s18+$0xFFFFFF10] =	vst v1;
	v1 =	vmul.f32 $2.500000000e-01, v3;
	v3 =	vld [tilespmem:s18+$0xFFFFFF80]  }
0x27: {  	[tilespmem:s18+$0xFFFFFF20] =	vst v0;
	v0 =	vmul.f32 $2.500000000e-01, v4;
	v4 =	vld [tilespmem:s18+$0xFFFFFF90]  }
0x28: {  	[tilespmem:s18+$0xFFFFFF30] =	vst v1;
	v1 =	vmul.f32 $2.500000000e-01, v5;
	v5 =	vld [tilespmem:s18+$0xFFFFFFA0]  }
0x29: {  	[tilespmem:s18+$0xFFFFFF40] =	vst v0;
	v0 =	vmul.f32 $2.500000000e-01, v6;
	v6 =	vld [tilespmem:s18+$0xFFFFFFB0]  }
0x2a: {  	[tilespmem:s18+$0xFFFFFF50] =	vst v1;
	v1 =	vmul.f32 $2.500000000e-01, v2;
	v2 =	vld [tilespmem:s18+$0xFFFFFFC0]  }
0x2b: {  	[tilespmem:s18+$0xFFFFFF60] =	vst v0;
	v0 =	vmul.f32 $2.500000000e-01, v3;
	v3 =	vld [tilespmem:s18+$0xFFFFFFD0]  }
0x2c: {  	[tilespmem:s18+$0xFFFFFF70] =	vst v1;
	v1 =	vmul.f32 $2.500000000e-01, v4;
	v4 =	vld [tilespmem:s18+$0xFFFFFFE0]  }
0x2d: {  	[tilespmem:s18+$0xFFFFFF80] =	vst v0;
	v0 =	vmul.f32 $2.500000000e-01, v5;
	v5 =	vld [tilespmem:s18+$0x0]  }
0x2e: {  	[tilespmem:s18+$0xFFFFFF90] =	vst v1;
	v1 =	vmul.f32 $2.500000000e-01, v6;
	v6 =	vld [tilespmem:s18+$0x10]  }
0x2f: {  	[tilespmem:s18+$0xFFFFFFA0] =	vst v0;
	v0 =	vmul.f32 $2.500000000e-01, v2;
	v2 =	vld [tilespmem:s18+$0x20]  }
0x30: {  	[tilespmem:s18+$0xFFFFFFB0] =	vst v1;
	v1 =	vmul.f32 $2.500000000e-01, v3;
	v3 =	vld [tilespmem:s18+$0x30]  }
0x31: {  	[tilespmem:s18+$0xFFFFFFC0] =	vst v0;
	v0 =	vmul.f32 $2.500000000e-01, v4;
	v4 =	vld [tilespmem:s18+$0x40]  }
0x32: {  	[tilespmem:s18+$0xFFFFFFD0] =	vst v1;
	v1 =	vmul.f32 $2.500000000e-01, v5;
	v5 =	vld [tilespmem:s18+$0x50]  }
0x33: {  	[tilespmem:s18+$0xFFFFFFE0] =	vst v0;
	v0 =	vmul.f32 $2.500000000e-01, v6;
	v6 =	vld [tilespmem:s18+$0x60]  }
0x34: {  	[tilespmem:s18+$0x0] =	vst v1;
	v1 =	vmul.f32 $2.500000000e-01, v2;
	v2 =	vld [tilespmem:s18+$0x70]  }
0x35: {  	[tilespmem:s18+$0x10] =	vst v0;
	v0 =	vmul.f32 $2.500000000e-01, v3;
	v3 =	vld [tilespmem:s18+$0x80]  }
0x36: {  	[tilespmem:s18+$0x20] =	vst v1;
	v1 =	vmul.f32 $2.500000000e-01, v4;
	v4 =	vld [tilespmem:s18+$0x90]  }
0x37: {  	[tilespmem:s18+$0x30] =	vst v0;
	v0 =	vmul.f32 $2.500000000e-01, v5;
	v5 =	vld [tilespmem:s18+$0xA0]  }
0x38: {  	[tilespmem:s18+$0x40] =	vst v1;
	v1 =	vmul.f32 $2.500000000e-01, v6;
	v6 =	vld [tilespmem:s18+$0xB0]  }
0x39: {  	[tilespmem:s18+$0x50] =	vst v0;
	v2 =	vmul.f32 $2.500000000e-01, v2;
	v0 =	vld [tilespmem:s18+$0xC0]  }
0x3a: {  	[tilespmem:s18+$0x60] =	vst v1;
	v3 =	vmul.f32 $2.500000000e-01, v3;
	v1 =	vld [tilespmem:s18+$0xD0]  }
0x3b: {  	[tilespmem:s18+$0x70] =	vst v2;
	v7 =	vmul.f32 $2.500000000e-01, v4;
	v2 =	vld [tilespmem:s18+$0xE0]  }
0x3c: {  	[tilespmem:s18+$0x80] =	vst v3;
	v3 =	vld [tilespmem:s18+$0xF0];
	v5 =	vmul.f32 $2.500000000e-01, v5  }
0x3d: {  	s19 =	simm.s32 $0x0;
	s20 =	simm.s32 $0x700;
	v4 =	vld [tilespmem:s18+$0xFFFFFFF0];
	[tilespmem:s18+$0x90] =	vst v7;
	v6 =	vmul.f32 $2.500000000e-01, v6  }
.LBB2_2:
0x3e: {  	v7 =	vld [tilespmem:s20+$0xFFFFFF00];
	[tilespmem:s18+$0xA0] =	vst v5;
	v0 =	vmul.f32 $2.500000000e-01, v0  }
0x3f: {  	v5 =	vld [tilespmem:s20+$0xFFFFFF10];
	[tilespmem:s18+$0xB0] =	vst v6;
	v1 =	vmul.f32 $2.500000000e-01, v1  }
0x40: {  	v6 =	vld [tilespmem:s20+$0xFFFFFF20];
	[tilespmem:s18+$0xC0] =	vst v0;
	v0 =	vmul.f32 $2.500000000e-01, v2  }
0x41: {  	v2 =	vld [tilespmem:s20+$0xFFFFFF30];
	[tilespmem:s18+$0xD0] =	vst v1;
	v1 =	vmul.f32 $2.500000000e-01, v3  }
0x42: {  	v3 =	vld [tilespmem:s20+$0xFFFFFF40];
	v4 =	vmul.f32 $2.500000000e-01, v4;
	[tilespmem:s18+$0xE0] =	vst v0  }
0x43: {  	v0 =	vmul.f32 $2.500000000e-01, v7;
	v7 =	vld [tilespmem:s20+$0xFFFFFF50];
	[tilespmem:s18+$0xF0] =	vst v1  }
0x44: {  	v1 =	vmul.f32 $2.500000000e-01, v5;
	v5 =	vld [tilespmem:s20+$0xFFFFFF60];
	[tilespmem:s18+$0xFFFFFFF0] =	vst v4;
	s18 =	smov.u32 s20  }
0x45: {  	[tilespmem:s20+$0xFFFFFF00] =	vst v0;
	v0 =	vmul.f32 $2.500000000e-01, v6;
	v4 =	vld [tilespmem:s20+$0xFFFFFF70]  }
0x46: {  	[tilespmem:s20+$0xFFFFFF10] =	vst v1;
	v1 =	vmul.f32 $2.500000000e-01, v2;
	v2 =	vld [tilespmem:s20+$0xFFFFFF80]  }
0x47: {  	[tilespmem:s20+$0xFFFFFF20] =	vst v0;
	v0 =	vmul.f32 $2.500000000e-01, v3;
	v3 =	vld [tilespmem:s20+$0xFFFFFF90]  }
0x48: {  	[tilespmem:s20+$0xFFFFFF30] =	vst v1;
	v1 =	vmul.f32 $2.500000000e-01, v7;
	v6 =	vld [tilespmem:s20+$0xFFFFFFA0]  }
0x49: {  	[tilespmem:s20+$0xFFFFFF40] =	vst v0;
	v0 =	vmul.f32 $2.500000000e-01, v5;
	v5 =	vld [tilespmem:s20+$0xFFFFFFB0]  }
0x4a: {  	[tilespmem:s20+$0xFFFFFF50] =	vst v1;
	v1 =	vmul.f32 $2.500000000e-01, v4;
	v4 =	vld [tilespmem:s20+$0xFFFFFFC0]  }
0x4b: {  	[tilespmem:s20+$0xFFFFFF60] =	vst v0;
	v0 =	vmul.f32 $2.500000000e-01, v2;
	v2 =	vld [tilespmem:s20+$0xFFFFFFD0]  }
0x4c: {  	[tilespmem:s20+$0xFFFFFF70] =	vst v1;
	v1 =	vmul.f32 $2.500000000e-01, v3;
	v3 =	vld [tilespmem:s20+$0xFFFFFFE0]  }
0x4d: {  	[tilespmem:s20+$0xFFFFFF80] =	vst v0;
	v0 =	vmul.f32 $2.500000000e-01, v6;
	v6 =	vld [tilespmem:s20+$0x0]  }
0x4e: {  	[tilespmem:s20+$0xFFFFFF90] =	vst v1;
	v1 =	vmul.f32 $2.500000000e-01, v5;
	v5 =	vld [tilespmem:s20+$0x10]  }
0x4f: {  	[tilespmem:s20+$0xFFFFFFA0] =	vst v0;
	v0 =	vmul.f32 $2.500000000e-01, v4;
	v4 =	vld [tilespmem:s20+$0x20]  }
0x50: {  	[tilespmem:s20+$0xFFFFFFB0] =	vst v1;
	v1 =	vmul.f32 $2.500000000e-01, v2;
	v2 =	vld [tilespmem:s20+$0x30]  }
0x51: {  	[tilespmem:s20+$0xFFFFFFC0] =	vst v0;
	v0 =	vmul.f32 $2.500000000e-01, v3;
	v3 =	vld [tilespmem:s20+$0x40]  }
0x52: {  	[tilespmem:s20+$0xFFFFFFD0] =	vst v1;
	v1 =	vmul.f32 $2.500000000e-01, v6;
	v6 =	vld [tilespmem:s20+$0x50]  }
0x53: {  	[tilespmem:s20+$0xFFFFFFE0] =	vst v0;
	v0 =	vmul.f32 $2.500000000e-01, v5;
	v5 =	vld [tilespmem:s20+$0x60]  }
0x54: {  	[tilespmem:s20+$0x0] =	vst v1;
	v1 =	vmul.f32 $2.500000000e-01, v4;
	v4 =	vld [tilespmem:s20+$0x70]  }
0x55: {  	[tilespmem:s20+$0x10] =	vst v0;
	v0 =	vmul.f32 $2.500000000e-01, v2;
	v2 =	vld [tilespmem:s20+$0x80]  }
0x56: {  	[tilespmem:s20+$0x20] =	vst v1;
	v1 =	vmul.f32 $2.500000000e-01, v3;
	v3 =	vld [tilespmem:s20+$0x90]  }
0x57: {  	s19 =	sadd.s32 $0x8, s19;
	[tilespmem:s20+$0x30] =	vst v0;
	v0 =	vmul.f32 $2.500000000e-01, v6;
	v6 =	vld [tilespmem:s20+$0xA0]  }
0x58: {  	p0 =	slt.u32 s19, $0x1F8;
	[tilespmem:s20+$0x40] =	vst v1;
	v1 =	vmul.f32 $2.500000000e-01, v5;
	v7 =	vld [tilespmem:s20+$0xB0]  }
.Ltmp0:
0x59: {  	[tilespmem:s20+$0x50] =	vst v0;
	v4 =	vmul.f32 $2.500000000e-01, v4;
	v0 =	vld [tilespmem:s20+$0xC0];
	(pc) =	sbr.rel @p0 .LBB2_2-.Ltmp0, $4  }
0x5a: {  	[tilespmem:s20+$0x60] =	vst v1;
	v5 =	vmul.f32 $2.500000000e-01, v2;
	v1 =	vld [tilespmem:s20+$0xD0]  }
0x5b: {  	[tilespmem:s20+$0x70] =	vst v4;
	v8 =	vmul.f32 $2.500000000e-01, v3;
	v2 =	vld [tilespmem:s20+$0xE0]  }
0x5c: {  	[tilespmem:s20+$0x80] =	vst v5;
	v5 =	vmul.f32 $2.500000000e-01, v6;
	v3 =	vld [tilespmem:s20+$0xF0]  }
0x5d: {  	s20 =	sadd.s32 $0x200, s20;
	v4 =	vld [tilespmem:s18+$0xFFFFFFF0];
	[tilespmem:s18+$0x90] =	vst v8;
	v6 =	vmul.f32 $2.500000000e-01, v7  }
0x5e: {  	[tilespmem:s18+$0xA0] =	vst v5;
	v0 =	vmul.f32 $2.500000000e-01, v0  }
0x5f: {  	[tilespmem:s18+$0xB0] =	vst v6;
	v1 =	vmul.f32 $2.500000000e-01, v1  }
0x60: {  	[tilespmem:s18+$0xC0] =	vst v0;
	v0 =	vmul.f32 $2.500000000e-01, v2  }
0x61: {  	[tilespmem:s18+$0xD0] =	vst v1;
	v1 =	vmul.f32 $2.500000000e-01, v3  }
0x62: {  	v2 =	vmul.f32 $2.500000000e-01, v4;
	[tilespmem:s18+$0xE0] =	vst v0  }
0x63: {  	[tilespmem:s18+$0xF0] =	vst v1  }
0x64: {  	[tilespmem:s18+$0xFFFFFFF0] =	vst v2  }
0x65: {  	[hbm4b:s7+s2] =	stream.linear.scatter [tilespmem:s12], [sflag:$0x3], $0x8000, $0x38;
	[tilespmem:$0x10400] =	vst v63  }
0x66: {  	_ =	swait.ge [sflag:s15], $0x8000  }
0x67: {  	[sflag:s15] =	ssyncset.done $0x0  }
0x68: {  	s18 =	simm.s32 $0x8500;
	[sflag:s15] =	ssyncadd.s32 $0xFFFF8000  }
0x69: {  	v0 =	vld [tilespmem:s18+$0xFFFFFF00]  }
0x6a: {  	v1 =	vld [tilespmem:s18+$0xFFFFFF10]  }
0x6b: {  	v2 =	vld [tilespmem:s18+$0xFFFFFF20]  }
0x6c: {  	v3 =	vld [tilespmem:s18+$0xFFFFFF30]  }
0x6d: {  	v4 =	vld [tilespmem:s18+$0xFFFFFF40]  }
0x6e: {  	v5 =	vld [tilespmem:s18+$0xFFFFFF50];
	v0 =	vmul.f32 $2.500000000e-01, v0  }
0x6f: {  	v6 =	vld [tilespmem:s18+$0xFFFFFF60];
	v1 =	vmul.f32 $2.500000000e-01, v1  }
0x70: {  	[tilespmem:s18+$0xFFFFFF00] =	vst v0;
	v0 =	vmul.f32 $2.500000000e-01, v2;
	v2 =	vld [tilespmem:s18+$0xFFFFFF70]  }
0x71: {  	[tilespmem:s18+$0xFFFFFF10] =	vst v1;
	v1 =	vmul.f32 $2.500000000e-01, v3;
	v3 =	vld [tilespmem:s18+$0xFFFFFF80]  }
0x72: {  	[tilespmem:s18+$0xFFFFFF20] =	vst v0;
	v0 =	vmul.f32 $2.500000000e-01, v4;
	v4 =	vld [tilespmem:s18+$0xFFFFFF90]  }
0x73: {  	[tilespmem:s18+$0xFFFFFF30] =	vst v1;
	v1 =	vmul.f32 $2.500000000e-01, v5;
	v5 =	vld [tilespmem:s18+$0xFFFFFFA0]  }
0x74: {  	[tilespmem:s18+$0xFFFFFF40] =	vst v0;
	v0 =	vmul.f32 $2.500000000e-01, v6;
	v6 =	vld [tilespmem:s18+$0xFFFFFFB0]  }
0x75: {  	[tilespmem:s18+$0xFFFFFF50] =	vst v1;
	v1 =	vmul.f32 $2.500000000e-01, v2;
	v2 =	vld [tilespmem:s18+$0xFFFFFFC0]  }
0x76: {  	[tilespmem:s18+$0xFFFFFF60] =	vst v0;
	v0 =	vmul.f32 $2.500000000e-01, v3;
	v3 =	vld [tilespmem:s18+$0xFFFFFFD0]  }
0x77: {  	[tilespmem:s18+$0xFFFFFF70] =	vst v1;
	v1 =	vmul.f32 $2.500000000e-01, v4;
	v4 =	vld [tilespmem:s18+$0xFFFFFFE0]  }
0x78: {  	[tilespmem:s18+$0xFFFFFF80] =	vst v0;
	v0 =	vmul.f32 $2.500000000e-01, v5;
	v5 =	vld [tilespmem:s18+$0x0]  }
0x79: {  	[tilespmem:s18+$0xFFFFFF90] =	vst v1;
	v1 =	vmul.f32 $2.500000000e-01, v6;
	v6 =	vld [tilespmem:s18+$0x10]  }
0x7a: {  	[tilespmem:s18+$0xFFFFFFA0] =	vst v0;
	v0 =	vmul.f32 $2.500000000e-01, v2;
	v2 =	vld [tilespmem:s18+$0x20]  }
0x7b: {  	[tilespmem:s18+$0xFFFFFFB0] =	vst v1;
	v1 =	vmul.f32 $2.500000000e-01, v3;
	v3 =	vld [tilespmem:s18+$0x30]  }
0x7c: {  	[tilespmem:s18+$0xFFFFFFC0] =	vst v0;
	v0 =	vmul.f32 $2.500000000e-01, v4;
	v4 =	vld [tilespmem:s18+$0x40]  }
0x7d: {  	[tilespmem:s18+$0xFFFFFFD0] =	vst v1;
	v1 =	vmul.f32 $2.500000000e-01, v5;
	v5 =	vld [tilespmem:s18+$0x50]  }
0x7e: {  	[tilespmem:s18+$0xFFFFFFE0] =	vst v0;
	v0 =	vmul.f32 $2.500000000e-01, v6;
	v6 =	vld [tilespmem:s18+$0x60]  }
0x7f: {  	[tilespmem:s18+$0x0] =	vst v1;
	v1 =	vmul.f32 $2.500000000e-01, v2;
	v2 =	vld [tilespmem:s18+$0x70]  }
0x80: {  	[tilespmem:s18+$0x10] =	vst v0;
	v0 =	vmul.f32 $2.500000000e-01, v3;
	v3 =	vld [tilespmem:s18+$0x80]  }
0x81: {  	[tilespmem:s18+$0x20] =	vst v1;
	v1 =	vmul.f32 $2.500000000e-01, v4;
	v4 =	vld [tilespmem:s18+$0x90]  }
0x82: {  	[tilespmem:s18+$0x30] =	vst v0;
	v0 =	vmul.f32 $2.500000000e-01, v5;
	v5 =	vld [tilespmem:s18+$0xA0]  }
0x83: {  	[tilespmem:s18+$0x40] =	vst v1;
	v1 =	vmul.f32 $2.500000000e-01, v6;
	v6 =	vld [tilespmem:s18+$0xB0]  }
0x84: {  	[tilespmem:s18+$0x50] =	vst v0;
	v2 =	vmul.f32 $2.500000000e-01, v2;
	v0 =	vld [tilespmem:s18+$0xC0]  }
0x85: {  	[tilespmem:s18+$0x60] =	vst v1;
	v3 =	vmul.f32 $2.500000000e-01, v3;
	v1 =	vld [tilespmem:s18+$0xD0]  }
0x86: {  	[tilespmem:s18+$0x70] =	vst v2;
	v7 =	vmul.f32 $2.500000000e-01, v4;
	v2 =	vld [tilespmem:s18+$0xE0]  }
0x87: {  	[tilespmem:s18+$0x80] =	vst v3;
	v3 =	vld [tilespmem:s18+$0xF0];
	v5 =	vmul.f32 $2.500000000e-01, v5  }
0x88: {  	s19 =	simm.s32 $0x0;
	s20 =	simm.s32 $0x8700;
	v4 =	vld [tilespmem:s18+$0xFFFFFFF0];
	[tilespmem:s18+$0x90] =	vst v7;
	v6 =	vmul.f32 $2.500000000e-01, v6  }
.LBB2_4:
0x89: {  	v7 =	vld [tilespmem:s20+$0xFFFFFF00];
	[tilespmem:s18+$0xA0] =	vst v5;
	v0 =	vmul.f32 $2.500000000e-01, v0  }
0x8a: {  	v5 =	vld [tilespmem:s20+$0xFFFFFF10];
	[tilespmem:s18+$0xB0] =	vst v6;
	v1 =	vmul.f32 $2.500000000e-01, v1  }
0x8b: {  	v6 =	vld [tilespmem:s20+$0xFFFFFF20];
	[tilespmem:s18+$0xC0] =	vst v0;
	v0 =	vmul.f32 $2.500000000e-01, v2  }
0x8c: {  	v2 =	vld [tilespmem:s20+$0xFFFFFF30];
	[tilespmem:s18+$0xD0] =	vst v1;
	v1 =	vmul.f32 $2.500000000e-01, v3  }
0x8d: {  	v3 =	vld [tilespmem:s20+$0xFFFFFF40];
	v4 =	vmul.f32 $2.500000000e-01, v4;
	[tilespmem:s18+$0xE0] =	vst v0  }
0x8e: {  	v0 =	vmul.f32 $2.500000000e-01, v7;
	v7 =	vld [tilespmem:s20+$0xFFFFFF50];
	[tilespmem:s18+$0xF0] =	vst v1  }
0x8f: {  	v1 =	vmul.f32 $2.500000000e-01, v5;
	v5 =	vld [tilespmem:s20+$0xFFFFFF60];
	[tilespmem:s18+$0xFFFFFFF0] =	vst v4;
	s18 =	smov.u32 s20  }
0x90: {  	[tilespmem:s20+$0xFFFFFF00] =	vst v0;
	v0 =	vmul.f32 $2.500000000e-01, v6;
	v4 =	vld [tilespmem:s20+$0xFFFFFF70]  }
0x91: {  	[tilespmem:s20+$0xFFFFFF10] =	vst v1;
	v1 =	vmul.f32 $2.500000000e-01, v2;
	v2 =	vld [tilespmem:s20+$0xFFFFFF80]  }
0x92: {  	[tilespmem:s20+$0xFFFFFF20] =	vst v0;
	v0 =	vmul.f32 $2.500000000e-01, v3;
	v3 =	vld [tilespmem:s20+$0xFFFFFF90]  }
0x93: {  	[tilespmem:s20+$0xFFFFFF30] =	vst v1;
	v1 =	vmul.f32 $2.500000000e-01, v7;
	v6 =	vld [tilespmem:s20+$0xFFFFFFA0]  }
0x94: {  	[tilespmem:s20+$0xFFFFFF40] =	vst v0;
	v0 =	vmul.f32 $2.500000000e-01, v5;
	v5 =	vld [tilespmem:s20+$0xFFFFFFB0]  }
0x95: {  	[tilespmem:s20+$0xFFFFFF50] =	vst v1;
	v1 =	vmul.f32 $2.500000000e-01, v4;
	v4 =	vld [tilespmem:s20+$0xFFFFFFC0]  }
0x96: {  	[tilespmem:s20+$0xFFFFFF60] =	vst v0;
	v0 =	vmul.f32 $2.500000000e-01, v2;
	v2 =	vld [tilespmem:s20+$0xFFFFFFD0]  }
0x97: {  	[tilespmem:s20+$0xFFFFFF70] =	vst v1;
	v1 =	vmul.f32 $2.500000000e-01, v3;
	v3 =	vld [tilespmem:s20+$0xFFFFFFE0]  }
0x98: {  	[tilespmem:s20+$0xFFFFFF80] =	vst v0;
	v0 =	vmul.f32 $2.500000000e-01, v6;
	v6 =	vld [tilespmem:s20+$0x0]  }
0x99: {  	[tilespmem:s20+$0xFFFFFF90] =	vst v1;
	v1 =	vmul.f32 $2.500000000e-01, v5;
	v5 =	vld [tilespmem:s20+$0x10]  }
0x9a: {  	[tilespmem:s20+$0xFFFFFFA0] =	vst v0;
	v0 =	vmul.f32 $2.500000000e-01, v4;
	v4 =	vld [tilespmem:s20+$0x20]  }
0x9b: {  	[tilespmem:s20+$0xFFFFFFB0] =	vst v1;
	v1 =	vmul.f32 $2.500000000e-01, v2;
	v2 =	vld [tilespmem:s20+$0x30]  }
0x9c: {  	[tilespmem:s20+$0xFFFFFFC0] =	vst v0;
	v0 =	vmul.f32 $2.500000000e-01, v3;
	v3 =	vld [tilespmem:s20+$0x40]  }
0x9d: {  	[tilespmem:s20+$0xFFFFFFD0] =	vst v1;
	v1 =	vmul.f32 $2.500000000e-01, v6;
	v6 =	vld [tilespmem:s20+$0x50]  }
0x9e: {  	[tilespmem:s20+$0xFFFFFFE0] =	vst v0;
	v0 =	vmul.f32 $2.500000000e-01, v5;
	v5 =	vld [tilespmem:s20+$0x60]  }
0x9f: {  	[tilespmem:s20+$0x0] =	vst v1;
	v1 =	vmul.f32 $2.500000000e-01, v4;
	v4 =	vld [tilespmem:s20+$0x70]  }
0xa0: {  	[tilespmem:s20+$0x10] =	vst v0;
	v0 =	vmul.f32 $2.500000000e-01, v2;
	v2 =	vld [tilespmem:s20+$0x80]  }
0xa1: {  	[tilespmem:s20+$0x20] =	vst v1;
	v1 =	vmul.f32 $2.500000000e-01, v3;
	v3 =	vld [tilespmem:s20+$0x90]  }
0xa2: {  	s19 =	sadd.s32 $0x8, s19;
	[tilespmem:s20+$0x30] =	vst v0;
	v0 =	vmul.f32 $2.500000000e-01, v6;
	v6 =	vld [tilespmem:s20+$0xA0]  }
0xa3: {  	p0 =	slt.u32 s19, $0x1F8;
	[tilespmem:s20+$0x40] =	vst v1;
	v1 =	vmul.f32 $2.500000000e-01, v5;
	v7 =	vld [tilespmem:s20+$0xB0]  }
.Ltmp1:
0xa4: {  	[tilespmem:s20+$0x50] =	vst v0;
	v4 =	vmul.f32 $2.500000000e-01, v4;
	v0 =	vld [tilespmem:s20+$0xC0];
	(pc) =	sbr.rel @p0 .LBB2_4-.Ltmp1, $4  }
0xa5: {  	[tilespmem:s20+$0x60] =	vst v1;
	v5 =	vmul.f32 $2.500000000e-01, v2;
	v1 =	vld [tilespmem:s20+$0xD0]  }
0xa6: {  	[tilespmem:s20+$0x70] =	vst v4;
	v8 =	vmul.f32 $2.500000000e-01, v3;
	v2 =	vld [tilespmem:s20+$0xE0]  }
0xa7: {  	[tilespmem:s20+$0x80] =	vst v5;
	v5 =	vmul.f32 $2.500000000e-01, v6;
	v3 =	vld [tilespmem:s20+$0xF0]  }
0xa8: {  	s20 =	sadd.s32 $0x200, s20;
	v4 =	vld [tilespmem:s18+$0xFFFFFFF0];
	[tilespmem:s18+$0x90] =	vst v8;
	v6 =	vmul.f32 $2.500000000e-01, v7  }
0xa9: {  	[tilespmem:s18+$0xA0] =	vst v5;
	v0 =	vmul.f32 $2.500000000e-01, v0  }
0xaa: {  	[tilespmem:s18+$0xB0] =	vst v6;
	v1 =	vmul.f32 $2.500000000e-01, v1  }
0xab: {  	[tilespmem:s18+$0xC0] =	vst v0;
	v61 =	vmul.f32 $2.500000000e-01, v2  }
0xac: {  	[tilespmem:s18+$0xD0] =	vst v1;
	v62 =	vmul.f32 $2.500000000e-01, v3  }
0xad: {  	v63 =	vmul.f32 $2.500000000e-01, v4;
	[tilespmem:s18+$0xE0] =	vst v61  }
0xae: {  	[tilespmem:s18+$0xF0] =	vst v62  }
0xaf: {  	s17 =	sadd.s32 $0x1, s17;
	[tilespmem:s18+$0xFFFFFFF0] =	vst v63  }
0xb0: {  	[hbm4b:s8+s2] =	stream.linear.scatter [tilespmem:s13], [sflag:$0x3], $0x8000, $0x38;
	[tilespmem:$0x10400] =	vst v63  }
0xb1: {  	p0 =	sne.s32 s17, s9;
	_ =	swait.ge [sflag:s16], $0x8000  }
.Ltmp2:
0xb2: {  	[sflag:s16] =	ssyncset.done $0x0;
	(pc) =	sbr.rel @p0 .LBB2_1-.Ltmp2, $4  }
0xb3: {  	[sflag:s16] =	ssyncadd.s32 $0xFFFF8000  }
0xb4: {  	_ =	swait.ge [sflag:s16], $0x8000  }
0xb5: {  	[sflag:s16] =	ssyncset.done $0x0  }
0xb6: {  	[sflag:s16] =	ssyncadd.s32 $0xFFFF8000  }
0xb7: {  	_ =	sfence.sel $0x180000  }
0xb8: {  	[bflag:$0x0] =	sbarrier.arrive $0xFFFF  }
0xb9: {  	p0 =	sne.s32 s1, $0x0;
	_ =	strace $0x90000047  }
0xba: {  	s0 =	sadd.s32 @!p0 $0x100000, s0;
	[bflag:$0x2] =	sbarrier.arrive $0xFFFF  }
0xbb: {  	[sflag:s0] =	ssyncadd.tile.s32 @!p0 $0x1;
	_ =	shalt  }
.Lfunc_end2:
_tile_overlayer_lowered:
.L_overlay_start_2:
0xbc: {  	(tag) =	ssettag $0x2  }
0xbd: {  	s0 =	rddreg [dreg:$0x0];
	s2 =	stileid.u32  }
0xbe: {  	s1 =	rddreg [dreg:$0x1];
	p0 =	sne.s32 s2, $0x0  }
0xbf: {  	s3 =	rddreg [dreg:$0x2];
	[bflag:$0x3] =	sbarrier.arrive $0xFFFF;
	s2 =	simm.s32 @!p0 $0x1C04  }
0xc0: {  	[timem:s3], [sflag:s2] =	dma.local @!p0 [hbm:s0], s1  }
0xc1: {  	s0 =	simm.s32 @!p0 $0x4  }
0xc2: {  	_ =	swait.ge @!p0 [sflag:s0], s1  }
0xc3: {  	s1 =	ssub.s32 @!p0 $0x0, s1;
	[sflag:s0] =	ssyncset.done @!p0 $0x0  }
0xc4: {  	[sflag:s0] =	ssyncadd.s32 @!p0 s1  }
0xc5: {  	[bflag:$0x3] =	sbarrier.arrive $0xFFFF  }
0xc6: {  	_ =	shalt  }

</sc_bundles>
